<compile_context>
chip_gen: v7x
topology: tpu7x:2x2x1
jax: 0.10.2.dev20260603
libtpu: 0.0.44.dev20260713+nightly
codegen_flags: <defaults>
</compile_context>

<pallas_src>
import functools

import jax
import jax.numpy as jnp
from jax import lax
from jax.experimental import pallas as pl
from jax.experimental.pallas import tpu as pltpu
from jax.experimental.pallas import tpu_sc as plsc

B = 16384
P = 64
V = 832
VP = 1024
VPW = VP // 4
T = VPW // 128
VE = 896
H1, H2 = 512, 256

NC, NS = 2, 16
NW = NC * NS
GRP = 16
NBUF = 2

NCHUNK = 2
NB = B // NCHUNK
RW = NB // NW
NGRP = RW // GRP

BLK = 1024


_mesh = plsc.VectorSubcoreMesh(core_axis_name="c", subcore_axis_name="s")


@functools.partial(
    pl.kernel,
    mesh=_mesh,
    compiler_params=pltpu.CompilerParams(use_tc_tiling_on_sc=False,
                                         needs_layout_passes=False),
    out_type=jax.ShapeDtypeStruct((NB * VPW,), jnp.int32),
    scratch_types=[
        pltpu.VMEM((RW, P), jnp.int32),
        pltpu.VMEM((GRP * VPW,), jnp.int32),
        pltpu.VMEM((GRP * VPW,), jnp.int32),
        pltpu.SemaphoreType.DMA,
        pltpu.SemaphoreType.DMA,
    ],
)
def _hist(x_hbm, out_hbm, xv, buf0, buf1, sem0, sem1):
    wid = lax.axis_index("s") * NC + lax.axis_index("c")
    base = wid * RW
    pltpu.sync_copy(x_hbm.at[pl.ds(base, RW), :], xv)

    lanes = lax.broadcasted_iota(jnp.int32, (16,), 0)
    lane_base = (lanes >> 3) * (VPW * 8) + (lanes & 7) * 128
    one = jnp.ones((16,), jnp.int32)
    zeros16 = jnp.zeros((16,), jnp.int32)
    bufs = (buf0, buf1)
    sems = (sem0, sem1)

    def pair_body(gp, carry):
        for bi in range(NBUF):
            g = gp * NBUF + bi
            buf, sem = bufs[bi], sems[bi]

            @pl.when(gp > 0)
            def _wait():
                pltpu.make_async_copy(
                    out_hbm.at[pl.ds(0, GRP * VPW)], buf, sem).wait()

            @plsc.parallel_loop(0, GRP * VPW, 16, unroll=8)
            def _zero(i):
                buf[pl.ds(i, 16)] = zeros16

            grow = g * GRP

            @plsc.parallel_loop(0, P, 1, unroll=8)
            def _scat(p):
                col = plsc.load_gather(
                    xv, [grow + lanes, (lanes + p) & (P - 1)])
                off = lane_base + ((col >> 9) << 10) + (col & 127)
                val = one << (((col >> 7) & 3) << 3)
                plsc.addupdate_scatter(buf, [off], val)

            pltpu.async_copy(
                buf, out_hbm.at[pl.ds((base + g * GRP) * VPW, GRP * VPW)],
                sem)
        return carry

    lax.fori_loop(0, NGRP // NBUF, pair_body, 0)

    for bi in range(NBUF):
        pltpu.make_async_copy(
            out_hbm.at[pl.ds(0, GRP * VPW)], bufs[bi], sems[bi]).wait()


def _e1_body(emb_ref, w1_ref, out_ref):
    out_ref[V:, :] = jnp.zeros((VE - V, H1), jnp.bfloat16)
    out_ref[:V, :] = lax.dot_general(
        emb_ref[...], w1_ref[...], (((1,), (1,)), ((), ())),
        preferred_element_type=jnp.float32).astype(jnp.bfloat16)


_e1_call = pl.pallas_call(
    _e1_body,
    out_shape=jax.ShapeDtypeStruct((VE, H1), jnp.bfloat16),
)


def _mlp_body(c_ref, e1_ref, b1_ref, w2_ref, b2_ref, w3_ref, b3_ref, o_ref):
    c4 = c_ref[...]
    pieces = []
    for j in range(T):
        wj = c4[:, j].reshape(BLK, 128)
        for k in range(4):
            if j * 512 + k * 128 >= VE:
                continue
            pieces.append(((wj >> (8 * k)) & 0xFF).astype(jnp.bfloat16))
    c = jnp.concatenate(pieces, axis=1)
    acc = jnp.dot(c, e1_ref[...], preferred_element_type=jnp.float32)
    h1 = jnp.maximum(acc + b1_ref[...], 0.0)
    h2 = lax.dot_general(h1, w2_ref[...], (((1,), (1,)), ((), ())),
                         preferred_element_type=jnp.float32)
    h2 = jnp.maximum(h2 + b2_ref[...], 0.0)
    o_ref[...] = jnp.sum(h2 * w3_ref[...], axis=1, keepdims=True) + b3_ref[...]


_mlp_call = pl.pallas_call(
    _mlp_body,
    grid=(NB // BLK,),
    in_specs=[
        pl.BlockSpec((BLK // 8, T, 8, 128), lambda i: (i, 0, 0, 0)),
        pl.BlockSpec((VE, H1), lambda i: (0, 0)),
        pl.BlockSpec((1, H1), lambda i: (0, 0)),
        pl.BlockSpec((H2, H1), lambda i: (0, 0)),
        pl.BlockSpec((1, H2), lambda i: (0, 0)),
        pl.BlockSpec((1, H2), lambda i: (0, 0)),
        pl.BlockSpec((1, 1), lambda i: (0, 0)),
    ],
    out_specs=pl.BlockSpec((BLK, 1), lambda i: (i, 0)),
    out_shape=jax.ShapeDtypeStruct((NB, 1), jnp.float32),
)


def kernel(x, emb, W1, b1, W2, b2, W3, b3):
    xi = x.astype(jnp.int32)
    E1 = _e1_call(emb, W1)
    b1r, b2r, b3r = b1.reshape(1, H1), b2.reshape(1, H2), b3.reshape(1, 1)
    outs = []
    for i in range(NCHUNK):
        Cp = _hist(xi[i * NB:(i + 1) * NB])
        outs.append(_mlp_call(Cp.reshape(NB // 8, T, 8, 128), E1,
                              b1r, W2, b2r, W3, b3r))
    return jnp.concatenate(outs, axis=0)

# --- scband reference (transcript-rebuilt; emitter-appended) ---
"""Pipeline reference for scband-chess-position-net-83348135346445 (READ-ONLY COPY).

The authoritative reference and input builder live on the scoring server;
editing this copy changes nothing except your own understanding.
"""

import jax, jax.numpy as jnp
import numpy as np


def setup_inputs(seed: int = 0) -> dict:
    key = jax.random.key(seed)
    k_x, k_emb, k_w1, k_b1, k_w2, k_b2, k_w3, k_b3 = jax.random.split(key, 8)
    x = jax.random.randint(k_x, (16384, 64), 0, 832, dtype=jnp.int64)
    emb = jax.random.normal(k_emb, (832, 1024), dtype=jnp.float32)
    # torch.nn.Linear weights: [out, in], uniform(-1/sqrt(in), 1/sqrt(in))
    W1 = jax.random.uniform(k_w1, (512, 1024), jnp.float32, -1.0 / np.sqrt(1024), 1.0 / np.sqrt(1024))
    b1 = jax.random.uniform(k_b1, (512,), jnp.float32, -1.0 / np.sqrt(1024), 1.0 / np.sqrt(1024))
    W2 = jax.random.uniform(k_w2, (256, 512), jnp.float32, -1.0 / np.sqrt(512), 1.0 / np.sqrt(512))
    b2 = jax.random.uniform(k_b2, (256,), jnp.float32, -1.0 / np.sqrt(512), 1.0 / np.sqrt(512))
    W3 = jax.random.uniform(k_w3, (1, 256), jnp.float32, -1.0 / np.sqrt(256), 1.0 / np.sqrt(256))
    b3 = jax.random.uniform(k_b3, (1,), jnp.float32, -1.0 / np.sqrt(256), 1.0 / np.sqrt(256))
    return {"x": x, "emb": emb, "W1": W1, "b1": b1, "W2": W2, "b2": b2, "W3": W3, "b3": b3}


def reference(x, emb, W1, b1, W2, b2, W3, b3):
    h = jnp.take(emb, x, axis=0)          # [B, 64, 1024] embedding gather
    h = h.sum(axis=1)                      # [B, 1024]
    h = jax.nn.relu(h @ W1.T + b1)         # [B, 512]
    h = jax.nn.relu(h @ W2.T + b2)         # [B, 256]
    out = h @ W3.T + b3                    # [B, 1]
    return out

if __name__ == "__main__":
    import jax
    _d = setup_inputs()
    print(jax.jit(kernel)(*tuple(_d.values())))

</pallas_src>

<mosaic_0001>
#map = affine_map<(d0, d1) -> (0, 0)>
#map1 = affine_map<(d0, d1) -> (0)>
module attributes {stable_mosaic.version = 14 : i64} {
  func.func @_hist(%arg0: i32, %arg1: i32, %arg2: memref<8192x64xi32, #tpu.memory_space<hbm>>, %arg3: memref<2097152xi32, #tpu.memory_space<hbm>>, %arg4: memref<256x64xi32, #tpu.memory_space<vmem>>, %arg5: memref<4096xi32, #tpu.memory_space<vmem>>, %arg6: memref<4096xi32, #tpu.memory_space<vmem>>, %arg7: memref<!tpu.dma_semaphore, #tpu.memory_space<semaphore_mem>>, %arg8: memref<!tpu.dma_semaphore, #tpu.memory_space<semaphore_mem>>) attributes {dimension_semantics = [#tpu.dimension_semantics<core_parallel>, #tpu.dimension_semantics<subcore_parallel>], iteration_bounds = array<i64: 2, 16>, scalar_prefetch = 0 : i64, scratch_operands = 5 : i64, tpu.core_type = #tpu.core_type<sc_vector_subcore>, window_params = [{transform_indices = #map}, {transform_indices = #map1}]} {
    %mul3A = arith.constant 2 : i32
    %mul3A_0 = arith.muli %arg1, %mul3A : i32
    %add3A = arith.addi %mul3A_0, %arg0 : i32
    %mul3A_1 = arith.constant 256 : i32
    %mul3A_2 = arith.muli %add3A, %mul3A_1 : i32
    "tpu.region"() ({
      %run_scoped3A = tpu.sem_alloc : memref<!tpu.dma_semaphore, #tpu.memory_space<semaphore_mem>>
      %dma_start3A = arith.constant 0 : i32
      %dma_start3A_29 = tpu.memref_slice %arg2[%mul3A_2, %dma_start3A] : memref<8192x64xi32, #tpu.memory_space<hbm>> -> memref<256x64xi32, #tpu.memory_space<hbm>>
      %dma_start3A_30 = arith.constant 0 : i32
      %dma_start3A_31 = tpu.memref_slice %arg2[%mul3A_2, %dma_start3A_30] : memref<8192x64xi32, #tpu.memory_space<hbm>> -> memref<256x64xi32, #tpu.memory_space<hbm>>
      tpu.enqueue_dma source(%dma_start3A_31 : memref<256x64xi32, #tpu.memory_space<hbm>>) target(%arg4 : memref<256x64xi32, #tpu.memory_space<vmem>>) target_semaphore(%run_scoped3A : memref<!tpu.dma_semaphore, #tpu.memory_space<semaphore_mem>>)
      %dma_wait3A_32 = arith.constant 0 : i32
      %dma_wait3A_33 = tpu.memref_slice %arg2[%mul3A_2, %dma_wait3A_32] : memref<8192x64xi32, #tpu.memory_space<hbm>> -> memref<256x64xi32, #tpu.memory_space<hbm>>
      %dma_wait3A_34 = arith.constant 0 : i32
      %dma_wait3A_35 = tpu.memref_slice %arg2[%mul3A_2, %dma_wait3A_34] : memref<8192x64xi32, #tpu.memory_space<hbm>> -> memref<256x64xi32, #tpu.memory_space<hbm>>
      tpu.wait_dma2 semaphore(%run_scoped3A : memref<!tpu.dma_semaphore, #tpu.memory_space<semaphore_mem>>) src(%dma_wait3A_35 : memref<256x64xi32, #tpu.memory_space<hbm>>) dst(%arg4 : memref<256x64xi32, #tpu.memory_space<vmem>>)
      tpu.yield
    }) : () -> ()
    %iota3A = tpu.iota {dimensions = array<i32: 0>} : vector<16xi32>
    %shift_right_arithmetic3A = arith.constant 3 : i32
    %shift_right_arithmetic3A_3 = vector.broadcast %shift_right_arithmetic3A : i32 to vector<16xi32>
    %shift_right_arithmetic3A_4 = arith.shrsi %iota3A, %shift_right_arithmetic3A_3 : vector<16xi32>
    %mul3A_5 = arith.constant 2048 : i32
    %mul3A_6 = vector.broadcast %mul3A_5 : i32 to vector<16xi32>
    %mul3A_7 = arith.muli %shift_right_arithmetic3A_4, %mul3A_6 : vector<16xi32>
    %and3A = arith.constant 7 : i32
    %and3A_8 = vector.broadcast %and3A : i32 to vector<16xi32>
    %and3A_9 = arith.andi %iota3A, %and3A_8 : vector<16xi32>
    %mul3A_10 = arith.constant 128 : i32
    %mul3A_11 = vector.broadcast %mul3A_10 : i32 to vector<16xi32>
    %mul3A_12 = arith.muli %and3A_9, %mul3A_11 : vector<16xi32>
    %add3A_13 = arith.addi %mul3A_7, %mul3A_12 : vector<16xi32>
    %broadcast_in_dim3A = arith.constant 1 : i32
    %broadcast_in_dim3A_14 = vector.broadcast %broadcast_in_dim3A : i32 to vector<16xi32>
    %broadcast_in_dim3A_15 = arith.constant 0 : i32
    %broadcast_in_dim3A_16 = vector.broadcast %broadcast_in_dim3A_15 : i32 to vector<16xi32>
    %scan3A = arith.constant 0 : i32
    %scan3A_17 = arith.constant 0 : i32
    %scan3A_18 = arith.constant 8 : i32
    %scan3A_19 = arith.addi %scan3A_17, %scan3A_18 : i32
    %scan3A_20 = arith.constant 1 : i32
    scf.for %scan3A_29 = %scan3A_17 to %scan3A_19 step %scan3A_20  : i32 {
      %mul3A_30 = arith.constant 2 : i32
      %mul3A_31 = arith.muli %scan3A_29, %mul3A_30 : i32
      %add3A_32 = arith.constant 0 : i32
      %add3A_33 = arith.addi %mul3A_31, %add3A_32 : i32
      %gt3A = arith.constant 0 : i32
      %gt3A_34 = arith.cmpi sgt, %scan3A_29, %gt3A : i32
      %convert_element_type3A = arith.extui %gt3A_34 : i1 to i32
      %cond3A = arith.constant 0 : i32
      %cond3A_35 = arith.cmpi ne, %convert_element_type3A, %cond3A : i32
      scf.if %cond3A_35 {
        %dma_wait3A_73 = arith.constant 0 : i32
        %dma_wait3A_74 = tpu.memref_slice %arg3[%dma_wait3A_73] : memref<2097152xi32, #tpu.memory_space<hbm>> -> memref<4096xi32, #tpu.memory_space<hbm>>
        %dma_wait3A_75 = arith.constant 0 : i32
        %dma_wait3A_76 = tpu.memref_slice %arg3[%dma_wait3A_75] : memref<2097152xi32, #tpu.memory_space<hbm>> -> memref<4096xi32, #tpu.memory_space<hbm>>
        tpu.wait_dma2 semaphore(%arg7 : memref<!tpu.dma_semaphore, #tpu.memory_space<semaphore_mem>>) src(%dma_wait3A_76 : memref<4096xi32, #tpu.memory_space<hbm>>) dst(%arg5 : memref<4096xi32, #tpu.memory_space<vmem>>)
      } else {
      }
      %parallel_loop3A = arith.constant 0 : i32
      %parallel_loop3A_36 = arith.constant 4096 : i32
      %parallel_loop3A_37 = arith.constant 16 : i32
      scf.for %parallel_loop3A_73 = %parallel_loop3A to %parallel_loop3A_36 step %parallel_loop3A_37  : i32 {
        %parallel_loop3A_74 = arith.index_cast %parallel_loop3A_73 : i32 to index
        %parallel_loop3A_75 = tpu.vector_load %arg5[%parallel_loop3A_74] {strides = array<i32>} : memref<4096xi32, #tpu.memory_space<vmem>>, vector<16xi32>,
        tpu.vector_store %arg5[%parallel_loop3A_74], %broadcast_in_dim3A_16 {strides = array<i32>} : memref<4096xi32, #tpu.memory_space<vmem>>, vector<16xi32>,
      } {sc.loop_unroll_factor = 8 : i64, sc.parallel_access}
      %mul3A_38 = arith.constant 16 : i32
      %mul3A_39 = arith.muli %add3A_33, %mul3A_38 : i32
      %parallel_loop3A_40 = arith.constant 0 : i32
      %parallel_loop3A_41 = arith.constant 64 : i32
      %parallel_loop3A_42 = arith.constant 1 : i32
      scf.for %parallel_loop3A_73 = %parallel_loop3A_40 to %parallel_loop3A_41 step %parallel_loop3A_42  : i32 {
        %parallel_loop3A_74 = vector.broadcast %mul3A_39 : i32 to vector<16xi32>
        %parallel_loop3A_75 = arith.addi %parallel_loop3A_74, %iota3A : vector<16xi32>
        %parallel_loop3A_76 = vector.broadcast %parallel_loop3A_73 : i32 to vector<16xi32>
        %parallel_loop3A_77 = arith.addi %iota3A, %parallel_loop3A_76 : vector<16xi32>
        %parallel_loop3A_78 = arith.constant 63 : i32
        %parallel_loop3A_79 = vector.broadcast %parallel_loop3A_78 : i32 to vector<16xi32>
        %parallel_loop3A_80 = arith.andi %parallel_loop3A_77, %parallel_loop3A_79 : vector<16xi32>
        %parallel_loop3A_81 = tpu.vector_load_idx %arg4[%parallel_loop3A_75, %parallel_loop3A_80] : memref<256x64xi32, #tpu.memory_space<vmem>>[vector<16xi32>, vector<16xi32>], vector<16xi32>,
        %parallel_loop3A_82 = arith.constant 9 : i32
        %parallel_loop3A_83 = vector.broadcast %parallel_loop3A_82 : i32 to vector<16xi32>
        %parallel_loop3A_84 = arith.shrsi %parallel_loop3A_81, %parallel_loop3A_83 : vector<16xi32>
        %parallel_loop3A_85 = arith.constant 10 : i32
        %parallel_loop3A_86 = vector.broadcast %parallel_loop3A_85 : i32 to vector<16xi32>
        %parallel_loop3A_87 = arith.shli %parallel_loop3A_84, %parallel_loop3A_86 : vector<16xi32>
        %parallel_loop3A_88 = arith.addi %add3A_13, %parallel_loop3A_87 : vector<16xi32>
        %parallel_loop3A_89 = arith.constant 127 : i32
        %parallel_loop3A_90 = vector.broadcast %parallel_loop3A_89 : i32 to vector<16xi32>
        %parallel_loop3A_91 = arith.andi %parallel_loop3A_81, %parallel_loop3A_90 : vector<16xi32>
        %parallel_loop3A_92 = arith.addi %parallel_loop3A_88, %parallel_loop3A_91 : vector<16xi32>
        %parallel_loop3A_93 = arith.constant 7 : i32
        %parallel_loop3A_94 = vector.broadcast %parallel_loop3A_93 : i32 to vector<16xi32>
        %parallel_loop3A_95 = arith.shrsi %parallel_loop3A_81, %parallel_loop3A_94 : vector<16xi32>
        %parallel_loop3A_96 = arith.constant 3 : i32
        %parallel_loop3A_97 = vector.broadcast %parallel_loop3A_96 : i32 to vector<16xi32>
        %parallel_loop3A_98 = arith.andi %parallel_loop3A_95, %parallel_loop3A_97 : vector<16xi32>
        %parallel_loop3A_99 = arith.constant 3 : i32
        %parallel_loop3A_100 = vector.broadcast %parallel_loop3A_99 : i32 to vector<16xi32>
        %parallel_loop3A_101 = arith.shli %parallel_loop3A_98, %parallel_loop3A_100 : vector<16xi32>
        %parallel_loop3A_102 = arith.shli %broadcast_in_dim3A_14, %parallel_loop3A_101 : vector<16xi32>
        tpu.vector_store_idx %arg5[%parallel_loop3A_92], %parallel_loop3A_102 {add = true} : memref<4096xi32, #tpu.memory_space<vmem>>[vector<16xi32>], vector<16xi32>,
      } {sc.loop_unroll_factor = 8 : i64, sc.parallel_access}
      %mul3A_43 = arith.constant 16 : i32
      %mul3A_44 = arith.muli %add3A_33, %mul3A_43 : i32
      %add3A_45 = arith.addi %mul3A_2, %mul3A_44 : i32
      %mul3A_46 = arith.constant 256 : i32
      %mul3A_47 = arith.muli %add3A_45, %mul3A_46 : i32
      %dma_start3A = tpu.memref_slice %arg3[%mul3A_47] : memref<2097152xi32, #tpu.memory_space<hbm>> -> memref<4096xi32, #tpu.memory_space<hbm>>
      %dma_start3A_48 = tpu.memref_slice %arg3[%mul3A_47] : memref<2097152xi32, #tpu.memory_space<hbm>> -> memref<4096xi32, #tpu.memory_space<hbm>>
      tpu.enqueue_dma source(%arg5 : memref<4096xi32, #tpu.memory_space<vmem>>) target(%dma_start3A_48 : memref<4096xi32, #tpu.memory_space<hbm>>) target_semaphore(%arg7 : memref<!tpu.dma_semaphore, #tpu.memory_space<semaphore_mem>>)
      %mul3A_49 = arith.constant 2 : i32
      %mul3A_50 = arith.muli %scan3A_29, %mul3A_49 : i32
      %add3A_51 = arith.constant 1 : i32
      %add3A_52 = arith.addi %mul3A_50, %add3A_51 : i32
      %gt3A_53 = arith.constant 0 : i32
      %gt3A_54 = arith.cmpi sgt, %scan3A_29, %gt3A_53 : i32
      %convert_element_type3A_55 = arith.extui %gt3A_54 : i1 to i32
      %cond3A_56 = arith.constant 0 : i32
      %cond3A_57 = arith.cmpi ne, %convert_element_type3A_55, %cond3A_56 : i32
      scf.if %cond3A_57 {
        %dma_wait3A_73 = arith.constant 0 : i32
        %dma_wait3A_74 = tpu.memref_slice %arg3[%dma_wait3A_73] : memref<2097152xi32, #tpu.memory_space<hbm>> -> memref<4096xi32, #tpu.memory_space<hbm>>
        %dma_wait3A_75 = arith.constant 0 : i32
        %dma_wait3A_76 = tpu.memref_slice %arg3[%dma_wait3A_75] : memref<2097152xi32, #tpu.memory_space<hbm>> -> memref<4096xi32, #tpu.memory_space<hbm>>
        tpu.wait_dma2 semaphore(%arg8 : memref<!tpu.dma_semaphore, #tpu.memory_space<semaphore_mem>>) src(%dma_wait3A_76 : memref<4096xi32, #tpu.memory_space<hbm>>) dst(%arg6 : memref<4096xi32, #tpu.memory_space<vmem>>)
      } else {
      }
      %parallel_loop3A_58 = arith.constant 0 : i32
      %parallel_loop3A_59 = arith.constant 4096 : i32
      %parallel_loop3A_60 = arith.constant 16 : i32
      scf.for %parallel_loop3A_73 = %parallel_loop3A_58 to %parallel_loop3A_59 step %parallel_loop3A_60  : i32 {
        %parallel_loop3A_74 = arith.index_cast %parallel_loop3A_73 : i32 to index
        %parallel_loop3A_75 = tpu.vector_load %arg6[%parallel_loop3A_74] {strides = array<i32>} : memref<4096xi32, #tpu.memory_space<vmem>>, vector<16xi32>,
        tpu.vector_store %arg6[%parallel_loop3A_74], %broadcast_in_dim3A_16 {strides = array<i32>} : memref<4096xi32, #tpu.memory_space<vmem>>, vector<16xi32>,
      } {sc.loop_unroll_factor = 8 : i64, sc.parallel_access}
      %mul3A_61 = arith.constant 16 : i32
      %mul3A_62 = arith.muli %add3A_52, %mul3A_61 : i32
      %parallel_loop3A_63 = arith.constant 0 : i32
      %parallel_loop3A_64 = arith.constant 64 : i32
      %parallel_loop3A_65 = arith.constant 1 : i32
      scf.for %parallel_loop3A_73 = %parallel_loop3A_63 to %parallel_loop3A_64 step %parallel_loop3A_65  : i32 {
        %parallel_loop3A_74 = vector.broadcast %mul3A_62 : i32 to vector<16xi32>
        %parallel_loop3A_75 = arith.addi %parallel_loop3A_74, %iota3A : vector<16xi32>
        %parallel_loop3A_76 = vector.broadcast %parallel_loop3A_73 : i32 to vector<16xi32>
        %parallel_loop3A_77 = arith.addi %iota3A, %parallel_loop3A_76 : vector<16xi32>
        %parallel_loop3A_78 = arith.constant 63 : i32
        %parallel_loop3A_79 = vector.broadcast %parallel_loop3A_78 : i32 to vector<16xi32>
        %parallel_loop3A_80 = arith.andi %parallel_loop3A_77, %parallel_loop3A_79 : vector<16xi32>
        %parallel_loop3A_81 = tpu.vector_load_idx %arg4[%parallel_loop3A_75, %parallel_loop3A_80] : memref<256x64xi32, #tpu.memory_space<vmem>>[vector<16xi32>, vector<16xi32>], vector<16xi32>,
        %parallel_loop3A_82 = arith.constant 9 : i32
        %parallel_loop3A_83 = vector.broadcast %parallel_loop3A_82 : i32 to vector<16xi32>
        %parallel_loop3A_84 = arith.shrsi %parallel_loop3A_81, %parallel_loop3A_83 : vector<16xi32>
        %parallel_loop3A_85 = arith.constant 10 : i32
        %parallel_loop3A_86 = vector.broadcast %parallel_loop3A_85 : i32 to vector<16xi32>
        %parallel_loop3A_87 = arith.shli %parallel_loop3A_84, %parallel_loop3A_86 : vector<16xi32>
        %parallel_loop3A_88 = arith.addi %add3A_13, %parallel_loop3A_87 : vector<16xi32>
        %parallel_loop3A_89 = arith.constant 127 : i32
        %parallel_loop3A_90 = vector.broadcast %parallel_loop3A_89 : i32 to vector<16xi32>
        %parallel_loop3A_91 = arith.andi %parallel_loop3A_81, %parallel_loop3A_90 : vector<16xi32>
        %parallel_loop3A_92 = arith.addi %parallel_loop3A_88, %parallel_loop3A_91 : vector<16xi32>
        %parallel_loop3A_93 = arith.constant 7 : i32
        %parallel_loop3A_94 = vector.broadcast %parallel_loop3A_93 : i32 to vector<16xi32>
        %parallel_loop3A_95 = arith.shrsi %parallel_loop3A_81, %parallel_loop3A_94 : vector<16xi32>
        %parallel_loop3A_96 = arith.constant 3 : i32
        %parallel_loop3A_97 = vector.broadcast %parallel_loop3A_96 : i32 to vector<16xi32>
        %parallel_loop3A_98 = arith.andi %parallel_loop3A_95, %parallel_loop3A_97 : vector<16xi32>
        %parallel_loop3A_99 = arith.constant 3 : i32
        %parallel_loop3A_100 = vector.broadcast %parallel_loop3A_99 : i32 to vector<16xi32>
        %parallel_loop3A_101 = arith.shli %parallel_loop3A_98, %parallel_loop3A_100 : vector<16xi32>
        %parallel_loop3A_102 = arith.shli %broadcast_in_dim3A_14, %parallel_loop3A_101 : vector<16xi32>
        tpu.vector_store_idx %arg6[%parallel_loop3A_92], %parallel_loop3A_102 {add = true} : memref<4096xi32, #tpu.memory_space<vmem>>[vector<16xi32>], vector<16xi32>,
      } {sc.loop_unroll_factor = 8 : i64, sc.parallel_access}
      %mul3A_66 = arith.constant 16 : i32
      %mul3A_67 = arith.muli %add3A_52, %mul3A_66 : i32
      %add3A_68 = arith.addi %mul3A_2, %mul3A_67 : i32
      %mul3A_69 = arith.constant 256 : i32
      %mul3A_70 = arith.muli %add3A_68, %mul3A_69 : i32
      %dma_start3A_71 = tpu.memref_slice %arg3[%mul3A_70] : memref<2097152xi32, #tpu.memory_space<hbm>> -> memref<4096xi32, #tpu.memory_space<hbm>>
      %dma_start3A_72 = tpu.memref_slice %arg3[%mul3A_70] : memref<2097152xi32, #tpu.memory_space<hbm>> -> memref<4096xi32, #tpu.memory_space<hbm>>
      tpu.enqueue_dma source(%arg6 : memref<4096xi32, #tpu.memory_space<vmem>>) target(%dma_start3A_72 : memref<4096xi32, #tpu.memory_space<hbm>>) target_semaphore(%arg8 : memref<!tpu.dma_semaphore, #tpu.memory_space<semaphore_mem>>)
    }
    %scan3A_21 = arith.constant 8 : i32
    %dma_wait3A = arith.constant 0 : i32
    %dma_wait3A_22 = tpu.memref_slice %arg3[%dma_wait3A] : memref<2097152xi32, #tpu.memory_space<hbm>> -> memref<4096xi32, #tpu.memory_space<hbm>>
    %dma_wait3A_23 = arith.constant 0 : i32
    %dma_wait3A_24 = tpu.memref_slice %arg3[%dma_wait3A_23] : memref<2097152xi32, #tpu.memory_space<hbm>> -> memref<4096xi32, #tpu.memory_space<hbm>>
    tpu.wait_dma2 semaphore(%arg7 : memref<!tpu.dma_semaphore, #tpu.memory_space<semaphore_mem>>) src(%dma_wait3A_24 : memref<4096xi32, #tpu.memory_space<hbm>>) dst(%arg5 : memref<4096xi32, #tpu.memory_space<vmem>>)
    %dma_wait3A_25 = arith.constant 0 : i32
    %dma_wait3A_26 = tpu.memref_slice %arg3[%dma_wait3A_25] : memref<2097152xi32, #tpu.memory_space<hbm>> -> memref<4096xi32, #tpu.memory_space<hbm>>
    %dma_wait3A_27 = arith.constant 0 : i32
    %dma_wait3A_28 = tpu.memref_slice %arg3[%dma_wait3A_27] : memref<2097152xi32, #tpu.memory_space<hbm>> -> memref<4096xi32, #tpu.memory_space<hbm>>
    tpu.wait_dma2 semaphore(%arg8 : memref<!tpu.dma_semaphore, #tpu.memory_space<semaphore_mem>>) src(%dma_wait3A_28 : memref<4096xi32, #tpu.memory_space<hbm>>) dst(%arg6 : memref<4096xi32, #tpu.memory_space<vmem>>)
    return
  }
}

#map = affine_map<(d0, d1) -> (0, 0)>
#map1 = affine_map<(d0, d1) -> (0)>
module attributes {stable_mosaic.version = 14 : i64} {
  func.func @_hist(%arg0: i32, %arg1: i32, %arg2: memref<8192x64xi32, #tpu.memory_space<hbm>>, %arg3: memref<2097152xi32, #tpu.memory_space<hbm>>, %arg4: memref<256x64xi32, #tpu.memory_space<vmem>>, %arg5: memref<4096xi32, #tpu.memory_space<vmem>>, %arg6: memref<4096xi32, #tpu.memory_space<vmem>>, %arg7: memref<!tpu.dma_semaphore, #tpu.memory_space<semaphore_mem>>, %arg8: memref<!tpu.dma_semaphore, #tpu.memory_space<semaphore_mem>>) attributes {dimension_semantics = [#tpu.dimension_semantics<core_parallel>, #tpu.dimension_semantics<subcore_parallel>], iteration_bounds = array<i64: 2, 16>, scalar_prefetch = 0 : i64, scratch_operands = 5 : i64, tpu.core_type = #tpu.core_type<sc_vector_subcore>, window_params = [{transform_indices = #map}, {transform_indices = #map1}]} {
    %mul3A = arith.constant 2 : i32
    %mul3A_0 = arith.muli %arg1, %mul3A : i32
    %add3A = arith.addi %mul3A_0, %arg0 : i32
    %mul3A_1 = arith.constant 256 : i32
    %mul3A_2 = arith.muli %add3A, %mul3A_1 : i32
    "tpu.region"() ({
      %run_scoped3A = tpu.sem_alloc : memref<!tpu.dma_semaphore, #tpu.memory_space<semaphore_mem>>
      %dma_start3A = arith.constant 0 : i32
      %dma_start3A_29 = tpu.memref_slice %arg2[%mul3A_2, %dma_start3A] : memref<8192x64xi32, #tpu.memory_space<hbm>> -> memref<256x64xi32, #tpu.memory_space<hbm>>
      %dma_start3A_30 = arith.constant 0 : i32
      %dma_start3A_31 = tpu.memref_slice %arg2[%mul3A_2, %dma_start3A_30] : memref<8192x64xi32, #tpu.memory_space<hbm>> -> memref<256x64xi32, #tpu.memory_space<hbm>>
      tpu.enqueue_dma source(%dma_start3A_31 : memref<256x64xi32, #tpu.memory_space<hbm>>) target(%arg4 : memref<256x64xi32, #tpu.memory_space<vmem>>) target_semaphore(%run_scoped3A : memref<!tpu.dma_semaphore, #tpu.memory_space<semaphore_mem>>)
      %dma_wait3A_32 = arith.constant 0 : i32
      %dma_wait3A_33 = tpu.memref_slice %arg2[%mul3A_2, %dma_wait3A_32] : memref<8192x64xi32, #tpu.memory_space<hbm>> -> memref<256x64xi32, #tpu.memory_space<hbm>>
      %dma_wait3A_34 = arith.constant 0 : i32
      %dma_wait3A_35 = tpu.memref_slice %arg2[%mul3A_2, %dma_wait3A_34] : memref<8192x64xi32, #tpu.memory_space<hbm>> -> memref<256x64xi32, #tpu.memory_space<hbm>>
      tpu.wait_dma2 semaphore(%run_scoped3A : memref<!tpu.dma_semaphore, #tpu.memory_space<semaphore_mem>>) src(%dma_wait3A_35 : memref<256x64xi32, #tpu.memory_space<hbm>>) dst(%arg4 : memref<256x64xi32, #tpu.memory_space<vmem>>)
      tpu.yield
    }) : () -> ()
    %iota3A = tpu.iota {dimensions = array<i32: 0>} : vector<16xi32>
    %shift_right_arithmetic3A = arith.constant 3 : i32
    %shift_right_arithmetic3A_3 = vector.broadcast %shift_right_arithmetic3A : i32 to vector<16xi32>
    %shift_right_arithmetic3A_4 = arith.shrsi %iota3A, %shift_right_arithmetic3A_3 : vector<16xi32>
    %mul3A_5 = arith.constant 2048 : i32
    %mul3A_6 = vector.broadcast %mul3A_5 : i32 to vector<16xi32>
    %mul3A_7 = arith.muli %shift_right_arithmetic3A_4, %mul3A_6 : vector<16xi32>
    %and3A = arith.constant 7 : i32
    %and3A_8 = vector.broadcast %and3A : i32 to vector<16xi32>
    %and3A_9 = arith.andi %iota3A, %and3A_8 : vector<16xi32>
    %mul3A_10 = arith.constant 128 : i32
    %mul3A_11 = vector.broadcast %mul3A_10 : i32 to vector<16xi32>
    %mul3A_12 = arith.muli %and3A_9, %mul3A_11 : vector<16xi32>
    %add3A_13 = arith.addi %mul3A_7, %mul3A_12 : vector<16xi32>
    %broadcast_in_dim3A = arith.constant 1 : i32
    %broadcast_in_dim3A_14 = vector.broadcast %broadcast_in_dim3A : i32 to vector<16xi32>
    %broadcast_in_dim3A_15 = arith.constant 0 : i32
    %broadcast_in_dim3A_16 = vector.broadcast %broadcast_in_dim3A_15 : i32 to vector<16xi32>
    %scan3A = arith.constant 0 : i32
    %scan3A_17 = arith.constant 0 : i32
    %scan3A_18 = arith.constant 8 : i32
    %scan3A_19 = arith.addi %scan3A_17, %scan3A_18 : i32
    %scan3A_20 = arith.constant 1 : i32
    scf.for %scan3A_29 = %scan3A_17 to %scan3A_19 step %scan3A_20  : i32 {
      %mul3A_30 = arith.constant 2 : i32
      %mul3A_31 = arith.muli %scan3A_29, %mul3A_30 : i32
      %add3A_32 = arith.constant 0 : i32
      %add3A_33 = arith.addi %mul3A_31, %add3A_32 : i32
      %gt3A = arith.constant 0 : i32
      %gt3A_34 = arith.cmpi sgt, %scan3A_29, %gt3A : i32
      %convert_element_type3A = arith.extui %gt3A_34 : i1 to i32
      %cond3A = arith.constant 0 : i32
      %cond3A_35 = arith.cmpi ne, %convert_element_type3A, %cond3A : i32
      scf.if %cond3A_35 {
        %dma_wait3A_73 = arith.constant 0 : i32
        %dma_wait3A_74 = tpu.memref_slice %arg3[%dma_wait3A_73] : memref<2097152xi32, #tpu.memory_space<hbm>> -> memref<4096xi32, #tpu.memory_space<hbm>>
        %dma_wait3A_75 = arith.constant 0 : i32
        %dma_wait3A_76 = tpu.memref_slice %arg3[%dma_wait3A_75] : memref<2097152xi32, #tpu.memory_space<hbm>> -> memref<4096xi32, #tpu.memory_space<hbm>>
        tpu.wait_dma2 semaphore(%arg7 : memref<!tpu.dma_semaphore, #tpu.memory_space<semaphore_mem>>) src(%dma_wait3A_76 : memref<4096xi32, #tpu.memory_space<hbm>>) dst(%arg5 : memref<4096xi32, #tpu.memory_space<vmem>>)
      } else {
      }
      %parallel_loop3A = arith.constant 0 : i32
      %parallel_loop3A_36 = arith.constant 4096 : i32
      %parallel_loop3A_37 = arith.constant 16 : i32
      scf.for %parallel_loop3A_73 = %parallel_loop3A to %parallel_loop3A_36 step %parallel_loop3A_37  : i32 {
        %parallel_loop3A_74 = arith.index_cast %parallel_loop3A_73 : i32 to index
        %parallel_loop3A_75 = tpu.vector_load %arg5[%parallel_loop3A_74] {strides = array<i32>} : memref<4096xi32, #tpu.memory_space<vmem>>, vector<16xi32>,
        tpu.vector_store %arg5[%parallel_loop3A_74], %broadcast_in_dim3A_16 {strides = array<i32>} : memref<4096xi32, #tpu.memory_space<vmem>>, vector<16xi32>,
      } {sc.loop_unroll_factor = 8 : i64, sc.parallel_access}
      %mul3A_38 = arith.constant 16 : i32
      %mul3A_39 = arith.muli %add3A_33, %mul3A_38 : i32
      %parallel_loop3A_40 = arith.constant 0 : i32
      %parallel_loop3A_41 = arith.constant 64 : i32
      %parallel_loop3A_42 = arith.constant 1 : i32
      scf.for %parallel_loop3A_73 = %parallel_loop3A_40 to %parallel_loop3A_41 step %parallel_loop3A_42  : i32 {
        %parallel_loop3A_74 = vector.broadcast %mul3A_39 : i32 to vector<16xi32>
        %parallel_loop3A_75 = arith.addi %parallel_loop3A_74, %iota3A : vector<16xi32>
        %parallel_loop3A_76 = vector.broadcast %parallel_loop3A_73 : i32 to vector<16xi32>
        %parallel_loop3A_77 = arith.addi %iota3A, %parallel_loop3A_76 : vector<16xi32>
        %parallel_loop3A_78 = arith.constant 63 : i32
        %parallel_loop3A_79 = vector.broadcast %parallel_loop3A_78 : i32 to vector<16xi32>
        %parallel_loop3A_80 = arith.andi %parallel_loop3A_77, %parallel_loop3A_79 : vector<16xi32>
        %parallel_loop3A_81 = tpu.vector_load_idx %arg4[%parallel_loop3A_75, %parallel_loop3A_80] : memref<256x64xi32, #tpu.memory_space<vmem>>[vector<16xi32>, vector<16xi32>], vector<16xi32>,
        %parallel_loop3A_82 = arith.constant 9 : i32
        %parallel_loop3A_83 = vector.broadcast %parallel_loop3A_82 : i32 to vector<16xi32>
        %parallel_loop3A_84 = arith.shrsi %parallel_loop3A_81, %parallel_loop3A_83 : vector<16xi32>
        %parallel_loop3A_85 = arith.constant 10 : i32
        %parallel_loop3A_86 = vector.broadcast %parallel_loop3A_85 : i32 to vector<16xi32>
        %parallel_loop3A_87 = arith.shli %parallel_loop3A_84, %parallel_loop3A_86 : vector<16xi32>
        %parallel_loop3A_88 = arith.addi %add3A_13, %parallel_loop3A_87 : vector<16xi32>
        %parallel_loop3A_89 = arith.constant 127 : i32
        %parallel_loop3A_90 = vector.broadcast %parallel_loop3A_89 : i32 to vector<16xi32>
        %parallel_loop3A_91 = arith.andi %parallel_loop3A_81, %parallel_loop3A_90 : vector<16xi32>
        %parallel_loop3A_92 = arith.addi %parallel_loop3A_88, %parallel_loop3A_91 : vector<16xi32>
        %parallel_loop3A_93 = arith.constant 7 : i32
        %parallel_loop3A_94 = vector.broadcast %parallel_loop3A_93 : i32 to vector<16xi32>
        %parallel_loop3A_95 = arith.shrsi %parallel_loop3A_81, %parallel_loop3A_94 : vector<16xi32>
        %parallel_loop3A_96 = arith.constant 3 : i32
        %parallel_loop3A_97 = vector.broadcast %parallel_loop3A_96 : i32 to vector<16xi32>
        %parallel_loop3A_98 = arith.andi %parallel_loop3A_95, %parallel_loop3A_97 : vector<16xi32>
        %parallel_loop3A_99 = arith.constant 3 : i32
        %parallel_loop3A_100 = vector.broadcast %parallel_loop3A_99 : i32 to vector<16xi32>
        %parallel_loop3A_101 = arith.shli %parallel_loop3A_98, %parallel_loop3A_100 : vector<16xi32>
        %parallel_loop3A_102 = arith.shli %broadcast_in_dim3A_14, %parallel_loop3A_101 : vector<16xi32>
        tpu.vector_store_idx %arg5[%parallel_loop3A_92], %parallel_loop3A_102 {add = true} : memref<4096xi32, #tpu.memory_space<vmem>>[vector<16xi32>], vector<16xi32>,
      } {sc.loop_unroll_factor = 8 : i64, sc.parallel_access}
      %mul3A_43 = arith.constant 16 : i32
      %mul3A_44 = arith.muli %add3A_33, %mul3A_43 : i32
      %add3A_45 = arith.addi %mul3A_2, %mul3A_44 : i32
      %mul3A_46 = arith.constant 256 : i32
      %mul3A_47 = arith.muli %add3A_45, %mul3A_46 : i32
      %dma_start3A = tpu.memref_slice %arg3[%mul3A_47] : memref<2097152xi32, #tpu.memory_space<hbm>> -> memref<4096xi32, #tpu.memory_space<hbm>>
      %dma_start3A_48 = tpu.memref_slice %arg3[%mul3A_47] : memref<2097152xi32, #tpu.memory_space<hbm>> -> memref<4096xi32, #tpu.memory_space<hbm>>
      tpu.enqueue_dma source(%arg5 : memref<4096xi32, #tpu.memory_space<vmem>>) target(%dma_start3A_48 : memref<4096xi32, #tpu.memory_space<hbm>>) target_semaphore(%arg7 : memref<!tpu.dma_semaphore, #tpu.memory_space<semaphore_mem>>)
      %mul3A_49 = arith.constant 2 : i32
      %mul3A_50 = arith.muli %scan3A_29, %mul3A_49 : i32
      %add3A_51 = arith.constant 1 : i32
      %add3A_52 = arith.addi %mul3A_50, %add3A_51 : i32
      %gt3A_53 = arith.constant 0 : i32
      %gt3A_54 = arith.cmpi sgt, %scan3A_29, %gt3A_53 : i32
      %convert_element_type3A_55 = arith.extui %gt3A_54 : i1 to i32
      %cond3A_56 = arith.constant 0 : i32
      %cond3A_57 = arith.cmpi ne, %convert_element_type3A_55, %cond3A_56 : i32
      scf.if %cond3A_57 {
        %dma_wait3A_73 = arith.constant 0 : i32
        %dma_wait3A_74 = tpu.memref_slice %arg3[%dma_wait3A_73] : memref<2097152xi32, #tpu.memory_space<hbm>> -> memref<4096xi32, #tpu.memory_space<hbm>>
        %dma_wait3A_75 = arith.constant 0 : i32
        %dma_wait3A_76 = tpu.memref_slice %arg3[%dma_wait3A_75] : memref<2097152xi32, #tpu.memory_space<hbm>> -> memref<4096xi32, #tpu.memory_space<hbm>>
        tpu.wait_dma2 semaphore(%arg8 : memref<!tpu.dma_semaphore, #tpu.memory_space<semaphore_mem>>) src(%dma_wait3A_76 : memref<4096xi32, #tpu.memory_space<hbm>>) dst(%arg6 : memref<4096xi32, #tpu.memory_space<vmem>>)
      } else {
      }
      %parallel_loop3A_58 = arith.constant 0 : i32
      %parallel_loop3A_59 = arith.constant 4096 : i32
      %parallel_loop3A_60 = arith.constant 16 : i32
      scf.for %parallel_loop3A_73 = %parallel_loop3A_58 to %parallel_loop3A_59 step %parallel_loop3A_60  : i32 {
        %parallel_loop3A_74 = arith.index_cast %parallel_loop3A_73 : i32 to index
        %parallel_loop3A_75 = tpu.vector_load %arg6[%parallel_loop3A_74] {strides = array<i32>} : memref<4096xi32, #tpu.memory_space<vmem>>, vector<16xi32>,
        tpu.vector_store %arg6[%parallel_loop3A_74], %broadcast_in_dim3A_16 {strides = array<i32>} : memref<4096xi32, #tpu.memory_space<vmem>>, vector<16xi32>,
      } {sc.loop_unroll_factor = 8 : i64, sc.parallel_access}
      %mul3A_61 = arith.constant 16 : i32
      %mul3A_62 = arith.muli %add3A_52, %mul3A_61 : i32
      %parallel_loop3A_63 = arith.constant 0 : i32
      %parallel_loop3A_64 = arith.constant 64 : i32
      %parallel_loop3A_65 = arith.constant 1 : i32
      scf.for %parallel_loop3A_73 = %parallel_loop3A_63 to %parallel_loop3A_64 step %parallel_loop3A_65  : i32 {
        %parallel_loop3A_74 = vector.broadcast %mul3A_62 : i32 to vector<16xi32>
        %parallel_loop3A_75 = arith.addi %parallel_loop3A_74, %iota3A : vector<16xi32>
        %parallel_loop3A_76 = vector.broadcast %parallel_loop3A_73 : i32 to vector<16xi32>
        %parallel_loop3A_77 = arith.addi %iota3A, %parallel_loop3A_76 : vector<16xi32>
        %parallel_loop3A_78 = arith.constant 63 : i32
        %parallel_loop3A_79 = vector.broadcast %parallel_loop3A_78 : i32 to vector<16xi32>
        %parallel_loop3A_80 = arith.andi %parallel_loop3A_77, %parallel_loop3A_79 : vector<16xi32>
        %parallel_loop3A_81 = tpu.vector_load_idx %arg4[%parallel_loop3A_75, %parallel_loop3A_80] : memref<256x64xi32, #tpu.memory_space<vmem>>[vector<16xi32>, vector<16xi32>], vector<16xi32>,
        %parallel_loop3A_82 = arith.constant 9 : i32
        %parallel_loop3A_83 = vector.broadcast %parallel_loop3A_82 : i32 to vector<16xi32>
        %parallel_loop3A_84 = arith.shrsi %parallel_loop3A_81, %parallel_loop3A_83 : vector<16xi32>
        %parallel_loop3A_85 = arith.constant 10 : i32
        %parallel_loop3A_86 = vector.broadcast %parallel_loop3A_85 : i32 to vector<16xi32>
        %parallel_loop3A_87 = arith.shli %parallel_loop3A_84, %parallel_loop3A_86 : vector<16xi32>
        %parallel_loop3A_88 = arith.addi %add3A_13, %parallel_loop3A_87 : vector<16xi32>
        %parallel_loop3A_89 = arith.constant 127 : i32
        %parallel_loop3A_90 = vector.broadcast %parallel_loop3A_89 : i32 to vector<16xi32>
        %parallel_loop3A_91 = arith.andi %parallel_loop3A_81, %parallel_loop3A_90 : vector<16xi32>
        %parallel_loop3A_92 = arith.addi %parallel_loop3A_88, %parallel_loop3A_91 : vector<16xi32>
        %parallel_loop3A_93 = arith.constant 7 : i32
        %parallel_loop3A_94 = vector.broadcast %parallel_loop3A_93 : i32 to vector<16xi32>
        %parallel_loop3A_95 = arith.shrsi %parallel_loop3A_81, %parallel_loop3A_94 : vector<16xi32>
        %parallel_loop3A_96 = arith.constant 3 : i32
        %parallel_loop3A_97 = vector.broadcast %parallel_loop3A_96 : i32 to vector<16xi32>
        %parallel_loop3A_98 = arith.andi %parallel_loop3A_95, %parallel_loop3A_97 : vector<16xi32>
        %parallel_loop3A_99 = arith.constant 3 : i32
        %parallel_loop3A_100 = vector.broadcast %parallel_loop3A_99 : i32 to vector<16xi32>
        %parallel_loop3A_101 = arith.shli %parallel_loop3A_98, %parallel_loop3A_100 : vector<16xi32>
        %parallel_loop3A_102 = arith.shli %broadcast_in_dim3A_14, %parallel_loop3A_101 : vector<16xi32>
        tpu.vector_store_idx %arg6[%parallel_loop3A_92], %parallel_loop3A_102 {add = true} : memref<4096xi32, #tpu.memory_space<vmem>>[vector<16xi32>], vector<16xi32>,
      } {sc.loop_unroll_factor = 8 : i64, sc.parallel_access}
      %mul3A_66 = arith.constant 16 : i32
      %mul3A_67 = arith.muli %add3A_52, %mul3A_66 : i32
      %add3A_68 = arith.addi %mul3A_2, %mul3A_67 : i32
      %mul3A_69 = arith.constant 256 : i32
      %mul3A_70 = arith.muli %add3A_68, %mul3A_69 : i32
      %dma_start3A_71 = tpu.memref_slice %arg3[%mul3A_70] : memref<2097152xi32, #tpu.memory_space<hbm>> -> memref<4096xi32, #tpu.memory_space<hbm>>
      %dma_start3A_72 = tpu.memref_slice %arg3[%mul3A_70] : memref<2097152xi32, #tpu.memory_space<hbm>> -> memref<4096xi32, #tpu.memory_space<hbm>>
      tpu.enqueue_dma source(%arg6 : memref<4096xi32, #tpu.memory_space<vmem>>) target(%dma_start3A_72 : memref<4096xi32, #tpu.memory_space<hbm>>) target_semaphore(%arg8 : memref<!tpu.dma_semaphore, #tpu.memory_space<semaphore_mem>>)
    }
    %scan3A_21 = arith.constant 8 : i32
    %dma_wait3A = arith.constant 0 : i32
    %dma_wait3A_22 = tpu.memref_slice %arg3[%dma_wait3A] : memref<2097152xi32, #tpu.memory_space<hbm>> -> memref<4096xi32, #tpu.memory_space<hbm>>
    %dma_wait3A_23 = arith.constant 0 : i32
    %dma_wait3A_24 = tpu.memref_slice %arg3[%dma_wait3A_23] : memref<2097152xi32, #tpu.memory_space<hbm>> -> memref<4096xi32, #tpu.memory_space<hbm>>
    tpu.wait_dma2 semaphore(%arg7 : memref<!tpu.dma_semaphore, #tpu.memory_space<semaphore_mem>>) src(%dma_wait3A_24 : memref<4096xi32, #tpu.memory_space<hbm>>) dst(%arg5 : memref<4096xi32, #tpu.memory_space<vmem>>)
    %dma_wait3A_25 = arith.constant 0 : i32
    %dma_wait3A_26 = tpu.memref_slice %arg3[%dma_wait3A_25] : memref<2097152xi32, #tpu.memory_space<hbm>> -> memref<4096xi32, #tpu.memory_space<hbm>>
    %dma_wait3A_27 = arith.constant 0 : i32
    %dma_wait3A_28 = tpu.memref_slice %arg3[%dma_wait3A_27] : memref<2097152xi32, #tpu.memory_space<hbm>> -> memref<4096xi32, #tpu.memory_space<hbm>>
    tpu.wait_dma2 semaphore(%arg8 : memref<!tpu.dma_semaphore, #tpu.memory_space<semaphore_mem>>) src(%dma_wait3A_28 : memref<4096xi32, #tpu.memory_space<hbm>>) dst(%arg6 : memref<4096xi32, #tpu.memory_space<vmem>>)
    return
  }
}

module attributes {stable_mosaic.version = 14 : i64} {
  func.func @_e1_body(%arg0: memref<832x1024xf32, #tpu.memory_space<vmem>>, %arg1: memref<512x1024xf32, #tpu.memory_space<vmem>>, %arg2: memref<896x512xbf16, #tpu.memory_space<vmem>>) attributes {dimension_semantics = [], scalar_prefetch = 0 : i64, scratch_operands = 0 : i64, tpu.core_type = #tpu.core_type<tc>} {
    %broadcast_in_dim3A = arith.constant 0.000000e+00 : bf16
    %broadcast_in_dim3A_0 = vector.broadcast %broadcast_in_dim3A : bf16 to vector<64x512xbf16>
    %swap3A = arith.constant 832 : index
    %swap3A_1 = arith.constant 0 : index
    %swap3A_2 = vector.load %arg2[%swap3A, %swap3A_1] : memref<896x512xbf16, #tpu.memory_space<vmem>>, vector<64x512xbf16>
    tpu.vector_store %arg2[%swap3A, %swap3A_1], %broadcast_in_dim3A_0 {strides = array<i32>} : memref<896x512xbf16, #tpu.memory_space<vmem>>, vector<64x512xbf16>,
    %get3A = arith.constant 0 : index
    %get3A_3 = arith.constant 0 : index
    %get3A_4 = vector.load %arg0[%get3A, %get3A_3] : memref<832x1024xf32, #tpu.memory_space<vmem>>, vector<832x1024xf32>
    %get3A_5 = arith.constant 0 : index
    %get3A_6 = arith.constant 0 : index
    %get3A_7 = vector.load %arg1[%get3A_5, %get3A_6] : memref<512x1024xf32, #tpu.memory_space<vmem>>, vector<512x1024xf32>
    %dot_general3A = arith.constant dense<0.000000e+00> : vector<832x512xf32>
    %dot_general3A_8 = tpu.matmul %get3A_4, %get3A_7, %dot_general3A {dimension_numbers = #tpu.dot_dimension_numbers<[1], [1], [0], [0], [0, 0, 1, 0], [], []>, transpose_lhs_hint = false} : vector<832x1024xf32>, vector<512x1024xf32>, vector<832x512xf32> -> vector<832x512xf32>
    %convert_element_type3A = arith.truncf %dot_general3A_8 : vector<832x512xf32> to vector<832x512xbf16>
    %swap3A_9 = arith.constant 0 : index
    %swap3A_10 = arith.constant 0 : index
    %swap3A_11 = vector.load %arg2[%swap3A_9, %swap3A_10] : memref<896x512xbf16, #tpu.memory_space<vmem>>, vector<832x512xbf16>
    tpu.vector_store %arg2[%swap3A_9, %swap3A_10], %convert_element_type3A {strides = array<i32>} : memref<896x512xbf16, #tpu.memory_space<vmem>>, vector<832x512xbf16>,
    return
  }
}

module attributes {stable_mosaic.version = 14 : i64} {
  func.func @_mlp_body(%arg0: i32, %arg1: memref<128x2x8x128xi32, #tpu.memory_space<vmem>>, %arg2: memref<896x512xbf16, #tpu.memory_space<vmem>>, %arg3: memref<1x512xf32, #tpu.memory_space<vmem>>, %arg4: memref<256x512xf32, #tpu.memory_space<vmem>>, %arg5: memref<1x256xf32, #tpu.memory_space<vmem>>, %arg6: memref<1x256xf32, #tpu.memory_space<vmem>>, %arg7: memref<1x1xf32, #tpu.memory_space<vmem>>, %arg8: memref<1024x1xf32, #tpu.memory_space<vmem>>) attributes {dimension_semantics = [#tpu.dimension_semantics<arbitrary>], iteration_bounds = array<i64: 8>, scalar_prefetch = 0 : i64, scratch_operands = 0 : i64, tpu.core_type = #tpu.core_type<tc>, window_params = [{transform_indices = @transform_0, window_bounds = array<i64: 128, 2, 8, 128>}, {pipeline_mode = #tpu.pipeline_mode<synchronous>, transform_indices = @transform_1, window_bounds = array<i64: 896, 512>}, {pipeline_mode = #tpu.pipeline_mode<synchronous>, transform_indices = @transform_2, window_bounds = array<i64: 1, 512>}, {pipeline_mode = #tpu.pipeline_mode<synchronous>, transform_indices = @transform_3, window_bounds = array<i64: 256, 512>}, {pipeline_mode = #tpu.pipeline_mode<synchronous>, transform_indices = @transform_4, window_bounds = array<i64: 1, 256>}, {pipeline_mode = #tpu.pipeline_mode<synchronous>, transform_indices = @transform_5, window_bounds = array<i64: 1, 256>}, {pipeline_mode = #tpu.pipeline_mode<synchronous>, transform_indices = @transform_6, window_bounds = array<i64: 1, 1>}, {transform_indices = @transform_7, window_bounds = array<i64: 1024, 1>}]} {
    %get3A = arith.constant 0 : index
    %get3A_0 = arith.constant 0 : index
    %get3A_1 = arith.constant 0 : index
    %get3A_2 = arith.constant 0 : index
    %get3A_3 = vector.load %arg1[%get3A, %get3A_0, %get3A_1, %get3A_2] : memref<128x2x8x128xi32, #tpu.memory_space<vmem>>, vector<128x2x8x128xi32>
    %slice3A = vector.extract_strided_slice %get3A_3 {offsets = [0, 0, 0, 0], sizes = [128, 1, 8, 128], strides = [1, 1, 1, 1]} : vector<128x2x8x128xi32> to vector<128x1x8x128xi32>
    %squeeze3A = vector.shape_cast %slice3A : vector<128x1x8x128xi32> to vector<128x8x128xi32>
    %reshape3A = vector.shape_cast %squeeze3A : vector<128x8x128xi32> to vector<1024x128xi32>
    %shift_right_arithmetic3A = arith.constant 0 : i32
    %shift_right_arithmetic3A_4 = vector.broadcast %shift_right_arithmetic3A : i32 to vector<1024x128xi32>
    %shift_right_arithmetic3A_5 = arith.shrsi %reshape3A, %shift_right_arithmetic3A_4 : vector<1024x128xi32>
    %and3A = arith.constant 255 : i32
    %and3A_6 = vector.broadcast %and3A : i32 to vector<1024x128xi32>
    %and3A_7 = arith.andi %shift_right_arithmetic3A_5, %and3A_6 : vector<1024x128xi32>
    %convert_element_type3A = arith.sitofp %and3A_7 : vector<1024x128xi32> to vector<1024x128xbf16>
    %shift_right_arithmetic3A_8 = arith.constant 8 : i32
    %shift_right_arithmetic3A_9 = vector.broadcast %shift_right_arithmetic3A_8 : i32 to vector<1024x128xi32>
    %shift_right_arithmetic3A_10 = arith.shrsi %reshape3A, %shift_right_arithmetic3A_9 : vector<1024x128xi32>
    %and3A_11 = arith.constant 255 : i32
    %and3A_12 = vector.broadcast %and3A_11 : i32 to vector<1024x128xi32>
    %and3A_13 = arith.andi %shift_right_arithmetic3A_10, %and3A_12 : vector<1024x128xi32>
    %convert_element_type3A_14 = arith.sitofp %and3A_13 : vector<1024x128xi32> to vector<1024x128xbf16>
    %shift_right_arithmetic3A_15 = arith.constant 16 : i32
    %shift_right_arithmetic3A_16 = vector.broadcast %shift_right_arithmetic3A_15 : i32 to vector<1024x128xi32>
    %shift_right_arithmetic3A_17 = arith.shrsi %reshape3A, %shift_right_arithmetic3A_16 : vector<1024x128xi32>
    %and3A_18 = arith.constant 255 : i32
    %and3A_19 = vector.broadcast %and3A_18 : i32 to vector<1024x128xi32>
    %and3A_20 = arith.andi %shift_right_arithmetic3A_17, %and3A_19 : vector<1024x128xi32>
    %convert_element_type3A_21 = arith.sitofp %and3A_20 : vector<1024x128xi32> to vector<1024x128xbf16>
    %shift_right_arithmetic3A_22 = arith.constant 24 : i32
    %shift_right_arithmetic3A_23 = vector.broadcast %shift_right_arithmetic3A_22 : i32 to vector<1024x128xi32>
    %shift_right_arithmetic3A_24 = arith.shrsi %reshape3A, %shift_right_arithmetic3A_23 : vector<1024x128xi32>
    %and3A_25 = arith.constant 255 : i32
    %and3A_26 = vector.broadcast %and3A_25 : i32 to vector<1024x128xi32>
    %and3A_27 = arith.andi %shift_right_arithmetic3A_24, %and3A_26 : vector<1024x128xi32>
    %convert_element_type3A_28 = arith.sitofp %and3A_27 : vector<1024x128xi32> to vector<1024x128xbf16>
    %slice3A_29 = vector.extract_strided_slice %get3A_3 {offsets = [0, 1, 0, 0], sizes = [128, 1, 8, 128], strides = [1, 1, 1, 1]} : vector<128x2x8x128xi32> to vector<128x1x8x128xi32>
    %squeeze3A_30 = vector.shape_cast %slice3A_29 : vector<128x1x8x128xi32> to vector<128x8x128xi32>
    %reshape3A_31 = vector.shape_cast %squeeze3A_30 : vector<128x8x128xi32> to vector<1024x128xi32>
    %shift_right_arithmetic3A_32 = arith.constant 0 : i32
    %shift_right_arithmetic3A_33 = vector.broadcast %shift_right_arithmetic3A_32 : i32 to vector<1024x128xi32>
    %shift_right_arithmetic3A_34 = arith.shrsi %reshape3A_31, %shift_right_arithmetic3A_33 : vector<1024x128xi32>
    %and3A_35 = arith.constant 255 : i32
    %and3A_36 = vector.broadcast %and3A_35 : i32 to vector<1024x128xi32>
    %and3A_37 = arith.andi %shift_right_arithmetic3A_34, %and3A_36 : vector<1024x128xi32>
    %convert_element_type3A_38 = arith.sitofp %and3A_37 : vector<1024x128xi32> to vector<1024x128xbf16>
    %shift_right_arithmetic3A_39 = arith.constant 8 : i32
    %shift_right_arithmetic3A_40 = vector.broadcast %shift_right_arithmetic3A_39 : i32 to vector<1024x128xi32>
    %shift_right_arithmetic3A_41 = arith.shrsi %reshape3A_31, %shift_right_arithmetic3A_40 : vector<1024x128xi32>
    %and3A_42 = arith.constant 255 : i32
    %and3A_43 = vector.broadcast %and3A_42 : i32 to vector<1024x128xi32>
    %and3A_44 = arith.andi %shift_right_arithmetic3A_41, %and3A_43 : vector<1024x128xi32>
    %convert_element_type3A_45 = arith.sitofp %and3A_44 : vector<1024x128xi32> to vector<1024x128xbf16>
    %shift_right_arithmetic3A_46 = arith.constant 16 : i32
    %shift_right_arithmetic3A_47 = vector.broadcast %shift_right_arithmetic3A_46 : i32 to vector<1024x128xi32>
    %shift_right_arithmetic3A_48 = arith.shrsi %reshape3A_31, %shift_right_arithmetic3A_47 : vector<1024x128xi32>
    %and3A_49 = arith.constant 255 : i32
    %and3A_50 = vector.broadcast %and3A_49 : i32 to vector<1024x128xi32>
    %and3A_51 = arith.andi %shift_right_arithmetic3A_48, %and3A_50 : vector<1024x128xi32>
    %convert_element_type3A_52 = arith.sitofp %and3A_51 : vector<1024x128xi32> to vector<1024x128xbf16>
    %concatenate3A = tpu.concatenate %convert_element_type3A, %convert_element_type3A_14, %convert_element_type3A_21, %convert_element_type3A_28, %convert_element_type3A_38, %convert_element_type3A_45, %convert_element_type3A_52 in 1 : vector<1024x128xbf16>, vector<1024x128xbf16>, vector<1024x128xbf16>, vector<1024x128xbf16>, vector<1024x128xbf16>, vector<1024x128xbf16>, vector<1024x128xbf16> -> vector<1024x896xbf16>
    %get3A_53 = arith.constant 0 : index
    %get3A_54 = arith.constant 0 : index
    %get3A_55 = vector.load %arg2[%get3A_53, %get3A_54] : memref<896x512xbf16, #tpu.memory_space<vmem>>, vector<896x512xbf16>
    %dot_general3A = arith.constant dense<0.000000e+00> : vector<1024x512xf32>
    %dot_general3A_56 = tpu.matmul %concatenate3A, %get3A_55, %dot_general3A {dimension_numbers = #tpu.dot_dimension_numbers<[1], [0], [0], [1], [0, 0, 1, 1], [], []>, transpose_lhs_hint = false} : vector<1024x896xbf16>, vector<896x512xbf16>, vector<1024x512xf32> -> vector<1024x512xf32>
    %get3A_57 = arith.constant 0 : index
    %get3A_58 = arith.constant 0 : index
    %get3A_59 = vector.load %arg3[%get3A_57, %get3A_58] : memref<1x512xf32, #tpu.memory_space<vmem>>, vector<1x512xf32>
    %add3A = vector.broadcast %get3A_59 : vector<1x512xf32> to vector<1024x512xf32>
    %add3A_60 = arith.addf %dot_general3A_56, %add3A : vector<1024x512xf32>
    %max3A = arith.constant 0.000000e+00 : f32
    %max3A_61 = vector.broadcast %max3A : f32 to vector<1024x512xf32>
    %max3A_62 = arith.maximumf %add3A_60, %max3A_61 : vector<1024x512xf32>
    %get3A_63 = arith.constant 0 : index
    %get3A_64 = arith.constant 0 : index
    %get3A_65 = vector.load %arg4[%get3A_63, %get3A_64] : memref<256x512xf32, #tpu.memory_space<vmem>>, vector<256x512xf32>
    %dot_general3A_66 = arith.constant dense<0.000000e+00> : vector<1024x256xf32>
    %dot_general3A_67 = tpu.matmul %max3A_62, %get3A_65, %dot_general3A_66 {dimension_numbers = #tpu.dot_dimension_numbers<[1], [1], [0], [0], [0, 0, 1, 0], [], []>, transpose_lhs_hint = false} : vector<1024x512xf32>, vector<256x512xf32>, vector<1024x256xf32> -> vector<1024x256xf32>
    %get3A_68 = arith.constant 0 : index
    %get3A_69 = arith.constant 0 : index
    %get3A_70 = vector.load %arg5[%get3A_68, %get3A_69] : memref<1x256xf32, #tpu.memory_space<vmem>>, vector<1x256xf32>
    %add3A_71 = vector.broadcast %get3A_70 : vector<1x256xf32> to vector<1024x256xf32>
    %add3A_72 = arith.addf %dot_general3A_67, %add3A_71 : vector<1024x256xf32>
    %max3A_73 = arith.constant 0.000000e+00 : f32
    %max3A_74 = vector.broadcast %max3A_73 : f32 to vector<1024x256xf32>
    %max3A_75 = arith.maximumf %add3A_72, %max3A_74 : vector<1024x256xf32>
    %get3A_76 = arith.constant 0 : index
    %get3A_77 = arith.constant 0 : index
    %get3A_78 = vector.load %arg6[%get3A_76, %get3A_77] : memref<1x256xf32, #tpu.memory_space<vmem>>, vector<1x256xf32>
    %mul3A = vector.broadcast %get3A_78 : vector<1x256xf32> to vector<1024x256xf32>
    %mul3A_79 = arith.mulf %max3A_75, %mul3A : vector<1024x256xf32>
    %reduce_sum3A = arith.constant dense<0.000000e+00> : vector<1024xf32>
    %reduce_sum3A_80 = vector.multi_reduction <add>, %mul3A_79, %reduce_sum3A [1] : vector<1024x256xf32> to vector<1024xf32>
    %broadcast_in_dim3A = vector.shape_cast %reduce_sum3A_80 : vector<1024xf32> to vector<1024x1xf32>
    %get3A_81 = arith.constant 0 : index
    %get3A_82 = arith.constant 0 : index
    %get3A_83 = vector.load %arg7[%get3A_81, %get3A_82] : memref<1x1xf32, #tpu.memory_space<vmem>>, vector<1x1xf32>
    %add3A_84 = vector.broadcast %get3A_83 : vector<1x1xf32> to vector<1024x1xf32>
    %add3A_85 = arith.addf %broadcast_in_dim3A, %add3A_84 : vector<1024x1xf32>
    %swap3A = arith.constant 0 : index
    %swap3A_86 = arith.constant 0 : index
    %swap3A_87 = vector.load %arg8[%swap3A, %swap3A_86] : memref<1024x1xf32, #tpu.memory_space<vmem>>, vector<1024x1xf32>
    tpu.vector_store %arg8[%swap3A, %swap3A_86], %add3A_85 {strides = array<i32>} : memref<1024x1xf32, #tpu.memory_space<vmem>>, vector<1024x1xf32>,
    return
  }
  func.func @transform_0(%arg0: i32) -> (i32, i32, i32, i32) {
    %c0_i32 = arith.constant 0 : i32
    %c0_i32_0 = arith.constant 0 : i32
    %c0_i32_1 = arith.constant 0 : i32
    %c0_i32_2 = arith.constant 0 : i32
    return %arg0, %c0_i32, %c0_i32_0, %c0_i32_1 : i32, i32, i32, i32
  }
  func.func @transform_1(%arg0: i32) -> (i32, i32) {
    %c0_i32 = arith.constant 0 : i32
    %c0_i32_0 = arith.constant 0 : i32
    %c0_i32_1 = arith.constant 0 : i32
    return %c0_i32, %c0_i32_0 : i32, i32
  }
  func.func @transform_2(%arg0: i32) -> (i32, i32) {
    %c0_i32 = arith.constant 0 : i32
    %c0_i32_0 = arith.constant 0 : i32
    %c0_i32_1 = arith.constant 0 : i32
    return %c0_i32, %c0_i32_0 : i32, i32
  }
  func.func @transform_3(%arg0: i32) -> (i32, i32) {
    %c0_i32 = arith.constant 0 : i32
    %c0_i32_0 = arith.constant 0 : i32
    %c0_i32_1 = arith.constant 0 : i32
    return %c0_i32, %c0_i32_0 : i32, i32
  }
  func.func @transform_4(%arg0: i32) -> (i32, i32) {
    %c0_i32 = arith.constant 0 : i32
    %c0_i32_0 = arith.constant 0 : i32
    %c0_i32_1 = arith.constant 0 : i32
    return %c0_i32, %c0_i32_0 : i32, i32
  }
  func.func @transform_5(%arg0: i32) -> (i32, i32) {
    %c0_i32 = arith.constant 0 : i32
    %c0_i32_0 = arith.constant 0 : i32
    %c0_i32_1 = arith.constant 0 : i32
    return %c0_i32, %c0_i32_0 : i32, i32
  }
  func.func @transform_6(%arg0: i32) -> (i32, i32) {
    %c0_i32 = arith.constant 0 : i32
    %c0_i32_0 = arith.constant 0 : i32
    %c0_i32_1 = arith.constant 0 : i32
    return %c0_i32, %c0_i32_0 : i32, i32
  }
  func.func @transform_7(%arg0: i32) -> (i32, i32) {
    %c0_i32 = arith.constant 0 : i32
    %c0_i32_0 = arith.constant 0 : i32
    return %arg0, %c0_i32 : i32, i32
  }
}

</mosaic_0001>

<sc_bundles>
// kernel: kernel.10.cloned.1.call-start
scs
__scs_entry_jumppad:
0x0: {  	(pc) =	sbr.rel $0x88, $3  }
0x1: {  	(tag) =	ssettag $0x0;
	lr =	simm.s32 $0x1  }
0x2: {  	[smem:$0x3F99] =	sst lr;
	_ =	strace $0xD0000000  }
0x3: {  	_ = 	snop  }
0x4: {  	_ = 	snop  }
0x5: {  	_ = 	snop  }
0x6: {  	_ = 	snop  }
0x7: {  	_ = 	snop  }
__scs_overlays_trampoline_lowered:
0x8: {  	[smem:$0x3FA8] =	sst s0  }
0x9: {  	[smem:$0x3FA9] =	sst s1  }
0xa: {  	[smem:$0x3FAA] =	sst s2  }
0xb: {  	[smem:$0x3FAB] =	sst s3  }
0xc: {  	[smem:$0x3FAC] =	sst s4  }
0xd: {  	[smem:$0x3FAD] =	sst s5  }
0xe: {  	[smem:$0x3FAE] =	sst s6  }
0xf: {  	[smem:$0x3FAF] =	sst s7  }
0x10: {  	[smem:$0x3FB0] =	sst s8  }
0x11: {  	[smem:$0x3FB1] =	sst s9;
	s0 =	simm.s32 @!p0 $0x0  }
0x12: {  	s1 =	sld [smem:$0x3F97];
	s0 =	simm.s32 @p0 $0x1  }
0x13: {  	[smem:$0x3FB2] =	sst s0;
	s0 =	simm.s32 @!p1 $0x0  }
0x14: {  	s2 =	sld [smem:$0x3F96];
	s0 =	simm.s32 @p1 $0x1  }
0x15: {  	[smem:$0x3FB3] =	sst s0;
	s0 =	simm.s32 @!p2 $0x0  }
0x16: {  	s3 =	sld [smem:$0x3FDB];
	s0 =	simm.s32 @p2 $0x1  }
0x17: {  	s4 =	simm.s32 $0x1BF5;
	[smem:$0x3FB5] =	sst s0  }
0x18: {  	s0 =	sld [smem:$0x3F98];
	_ =	swait.ge [sflag:s4], $0x0  }
0x19: {  	s7 =	sld [smem:$0x3F99]  }
0x1a: {  	s8 =	sadd.s32 $0xFFFFE003, lr  }
0x1b: {  	s9 =	sadd.s32 $0xFFFFFEF7, lr;
	s5 =	simm.s32 $0xFFFFFFFF;
	p2 =	slt.u32 s8, $0xFFFFF086  }
0x1c: {  	p1 =	slt.u32 s9, $0xF7A;
	s5 =	simm.s32 @!p2 $0x0  }
0x1d: {  	s5 =	simm.s32 @p1 $0x1;
	p0 =	seq.s32 s7, s2  }
0x1e: {  	s7 =	smul.u32 @!p0 $0xF7A, s2;
	p2 =	seq.s32 @!p0 s5, $0x0  }
0x1f: {  	s9 =	smul.u32 $0xF7A, s1;
	s8 =	simm.s32 @!p0 $0x1BF5;
	p2 =	por !p2, p0  }
0x20: {  	[sflag:s8] =	ssyncset.s32 @!p0 $0xFFFFF086;
	s6 =	sadd.s32 @!p0 s3, s7;
	s7 =	simm.s32 @!p0 $0x108  }
0x21: {  	s3 =	sadd.s32 s3, s9;
	s6 =	sadd.s32 @!p0 $0x88, s6;
	s7 =	simm.s32 @p2 $0x1082  }
0x22: {  	[simem:s7], [sflag:s8] =	dma.local @!p0 [hbm:s6], $0xF7A  }
0x23: {  	s9 =	sor.u32 $0xD0000000, s2;
	s6 =	simm.s32 $0x108;
	_ =	swait.ge @!p0 [sflag:s8], $0x0  }
0x24: {  	s3 =	sadd.s32 $0x88, s3;
	s6 =	simm.s32 @!p1 $0x1082;
	[sflag:s4] =	ssyncset.s32 $0xFFFFF086  }
0x25: {  	[simem:s6], [sflag:s4] =	dma.local [hbm:s3], $0xF7A  }
0x26: {  	[smem:$0x3F99] =	sst s1;
	(tag) =	ssettag s2;
	_ =	strace s9  }
0x27: {  	s1 =	sld [smem:$0x3FA9]  }
0x28: {  	s2 =	sld [smem:$0x3FAA]  }
0x29: {  	s4 =	sld [smem:$0x3FAC]  }
0x2a: {  	p0 =	seq.s32 s5, $0x0;
	s5 =	sld [smem:$0x3FAD]  }
0x2b: {  	s6 =	sld [smem:$0x3FAE]  }
0x2c: {  	s7 =	sld [smem:$0x3FAF]  }
0x2d: {  	s3 =	simm.s32 $0x108;
	s8 =	sld [smem:$0x3FB0]  }
0x2e: {  	s3 =	simm.s32 @!p0 $0x1082;
	s9 =	sld [smem:$0x3FB1]  }
0x2f: {  	lr =	sadd.s32 s0, s3;
	s0 =	sld [smem:$0x3FA8]  }
0x30: {  	s3 =	sld [smem:$0x3FAB]  }
0x31: {  	[smem:$0x3FB4] =	sst s10  }
0x32: {  	s10 =	sld [smem:$0x3FB2];
	_ =	sdelay $0x3  }
0x33: {  	p0 =	seq.s32 s10, $0x1;
	s10 =	sld [smem:$0x3FB4];
	_ =	sdelay $0x3  }
0x34: {  	[smem:$0x3FB4] =	sst s10  }
0x35: {  	s10 =	sld [smem:$0x3FB3];
	_ =	sdelay $0x3  }
0x36: {  	p1 =	seq.s32 s10, $0x1;
	s10 =	sld [smem:$0x3FB4];
	_ =	sdelay $0x3  }
0x37: {  	[smem:$0x3FB4] =	sst s10  }
0x38: {  	s10 =	sld [smem:$0x3FB5]  }
0x39: {  	_ = 	snop;
	(pc) =	sbr.ind lr, $3  }
0x3a: {  	_ = 	snop  }
0x3b: {  	_ = 	snop  }
0x3c: {  	p2 =	seq.s32 s10, $0x1;
	s10 =	sld [smem:$0x3FB4]  }
0x3d: {  	_ =	shalt  }
0x3e: {  	_ =	shalt  }
0x3f: {  	_ =	shalt  }
0x40: {  	_ =	shalt  }
0x41: {  	_ =	shalt  }
0x42: {  	_ =	shalt  }
0x43: {  	_ =	shalt  }
0x44: {  	_ =	shalt  }
0x45: {  	_ =	shalt  }
0x46: {  	_ =	shalt  }
0x47: {  	_ =	shalt  }
0x48: {  	_ =	shalt  }
0x49: {  	_ =	shalt  }
0x4a: {  	_ =	shalt  }
0x4b: {  	_ =	shalt  }
0x4c: {  	_ =	shalt  }
0x4d: {  	_ =	shalt  }
0x4e: {  	_ =	shalt  }
0x4f: {  	_ =	shalt  }
0x50: {  	_ =	shalt  }
0x51: {  	_ =	shalt  }
0x52: {  	_ =	shalt  }
0x53: {  	_ =	shalt  }
0x54: {  	_ =	shalt  }
0x55: {  	_ =	shalt  }
0x56: {  	_ =	shalt  }
0x57: {  	_ =	shalt  }
0x58: {  	_ =	shalt  }
0x59: {  	_ =	shalt  }
0x5a: {  	_ =	shalt  }
0x5b: {  	_ =	shalt  }
0x5c: {  	_ =	shalt  }
0x5d: {  	_ =	shalt  }
0x5e: {  	_ =	shalt  }
0x5f: {  	_ =	shalt  }
0x60: {  	_ =	shalt  }
0x61: {  	_ =	shalt  }
0x62: {  	_ =	shalt  }
0x63: {  	_ =	shalt  }
0x64: {  	_ =	shalt  }
0x65: {  	_ =	shalt  }
0x66: {  	_ =	shalt  }
0x67: {  	_ =	shalt  }
0x68: {  	_ =	shalt  }
0x69: {  	_ =	shalt  }
0x6a: {  	_ =	shalt  }
0x6b: {  	_ =	shalt  }
0x6c: {  	_ =	shalt  }
0x6d: {  	_ =	shalt  }
0x6e: {  	_ =	shalt  }
0x6f: {  	_ =	shalt  }
0x70: {  	_ =	shalt  }
0x71: {  	_ =	shalt  }
0x72: {  	_ =	shalt  }
0x73: {  	_ =	shalt  }
0x74: {  	_ =	shalt  }
0x75: {  	_ =	shalt  }
0x76: {  	_ =	shalt  }
0x77: {  	_ =	shalt  }
0x78: {  	_ =	shalt  }
0x79: {  	_ =	shalt  }
0x7a: {  	_ =	shalt  }
0x7b: {  	_ =	shalt  }
0x7c: {  	_ =	shalt  }
0x7d: {  	_ =	shalt  }
0x7e: {  	_ =	shalt  }
0x7f: {  	_ =	shalt  }
0x80: {  	_ =	shalt  }
0x81: {  	_ =	shalt  }
0x82: {  	_ =	shalt  }
0x83: {  	_ =	shalt  }
0x84: {  	_ =	shalt  }
0x85: {  	_ =	shalt  }
0x86: {  	_ =	shalt  }
0x87: {  	_ =	shalt  }
.Lfunc_end0:
.L_simem_size_0:
called_computation.1_lowered:
.L_overlay_start_0:
0x88: {  	s2 =	sld [smem:$0x3FD9]  }
0x89: {  	s3 =	sld [smem:$0x3FFE];
	_ =	sdelay $0x1  }
0x8a: {  	s1 =	srdreg.scid  }
0x8b: {  	s0 =	sand.u32 $0x1, s1  }
0x8c: {  	s16 =	sshll.u32 s0, $0xA;
	s2 =	sadd.s32 s3, s2  }
0x8d: {  	s2 =	sadd.s32 s2, s16  }
0x8e: {  	[smem:$0x3FC0] =	sst s2  }
0x8f: {  	_ = 	snop  }
0x90: {  	(tm) =	ssettm $0x1  }
0x91: {  	s17 =	sld [smem:$0x3FFB];
	_ =	sdelay $0x3  }
0x92: {  	_ =	strace s17  }
0x93: {  	s2 =	sld [smem:$0x3FFC];
	_ =	sdelay $0x3  }
0x94: {  	_ =	strace s2  }
0x95: {  	s2 =	sld [smem:$0x3FFD];
	_ =	sdelay $0x3  }
0x96: {  	_ =	strace s2  }
0x97: {  	_ =	strace $0x8FFFFFFF  }
0x98: {  	s18 =	sld [smem:$0x3FDB];
	_ =	sdelay $0x1  }
0x99: {  	s19 =	simm.s32 $_scs_section_size  }
0x9a: {  	s4 =	simm.s32 $_size__tile_overlayer_lowered;
	s5 =	simm.s32 $_tile_overlayer_lowered  }
0x9b: {  	s22 =	simm.s32 $0x1BFF;
	s21 =	sshll.u32 s5, $0x1;
	s2 =	sadd.s32 s19, s18  }
0x9c: {  	s6 =	simm.s32 $0x0;
	s20 =	sshll.u32 s4, $0x1;
	s4 =	sadd.s32 s21, s2  }
0x9d: {  	[timem:s6], [sflag:s22] =	dma.local [hbm:s4], s20  }
0x9e: {  	_ =	swait.ge [sflag:s22], s20  }
0x9f: {  	s3 =	ssub.s32 $0x0, s20;
	[sflag:s22] =	ssyncset.done $0x0  }
0xa0: {  	[sflag:s22] =	ssyncadd.s32 s3;
	_ =	sdelay $0x1  }
0xa1: {  	s23 =	simm.s32 $0x1B8B  }
0xa2: {  	_ =	swait.ge [sflag:s23], $0x1  }
0xa3: {  	[sflag:s23] =	ssyncset.done $0x0  }
0xa4: {  	s25 =	simm.s32 $0x1B8E;
	s24 =	sld [smem:$0x3FFE];
	[sflag:s23] =	ssyncadd.s32 $0xFFFFFFFF  }
0xa5: {  	s26 =	simm.s32 $execute0_lowered;
	[smem:$0x3FD2] =	sst s25  }
0xa6: {  	s4 =	sshll.u32 s26, $0x1;
	_ =	strace $0x80000046;
	[dreg:$0x1] =	wrdreg $0xFFFFFFFF  }
0xa7: {  	s28 =	simm.s32 $_size_execute0_lowered;
	s2 =	sadd.s32 s2, s4;
	[dreg:$0x0] =	wrdreg $0x0  }
0xa8: {  	s4 =	sshll.u32 s28, $0x1;
	[dreg:$0x2] =	wrdreg s2  }
0xa9: {  	[dreg:$0x3] =	wrdreg s4  }
0xaa: {  	[dreg:$0x4] =	wrdreg $0xC0  }
0xab: {  	_ =	task [dreg:s6], $0x5FFFF  }
0xac: {  	[dreg:$0x1] =	wrdreg $0xFFFFFFFF  }
0xad: {  	[dreg:$0x0] =	wrdreg $0x60  }
0xae: {  	[dreg:$0x2] =	wrdreg s24  }
0xaf: {  	[dreg:$0x3] =	wrdreg $0xA  }
0xb0: {  	_ =	task.clear_ibuf [dreg:s6], $0x4FFFF;
	_ =	strace $0x90000046  }
0xb1: {  	s29 =	simm.s32 $0xA;
	_ =	strace $0x80000048  }
0xb2: {  	_ =	swait.ge [sflag:s29], $0x1  }
0xb3: {  	[sflag:s29] =	ssyncadd.s32 $0xFFFFFFFF  }
0xb4: {  	_ =	strace $0x90000048  }
0xb5: {  	_ =	sfence  }
0xb6: {  	s30 =	sld [smem:$0x0];
	_ =	sdelay $0x2  }
0xb7: {  	s31 =	sshll.u32 s1, $0xD;
	s1 =	sshrl.u32 s1, $0x2  }
0xb8: {  	s3 =	sand.u32 $0x4000, s31;
	s1 =	sadd.s32 s1, s30  }
0xb9: {  	s0 =	sor.u32 s3, s0;
	s1 =	sshll.u32 s1, $0x11  }
0xba: {  	s0 =	sor.u32 s1, s0  }
0xbb: {  	s0 =	sadd.s32 $0x8F2B, s0  }
0xbc: {  	[sflag:s0] =	ssyncadd.remote.s32 $0x1  }
0xbd: {  	_ =	sfence.sel $0xFFFF  }
0xbe: {  	[dreg:$0x0] =	wrdreg $0xFFFFFFFF;
	(pc) =	sbr.abs _section_cstart, $3  }
0xbf: {  	[dreg:$0x1] =	wrdreg $0xFFFFFFFF  }
0xc0: {  	_ =	task.clear_ibuf [dreg:s6], $0x2FFFF;
	_ =	strace $0x9FFFFFFF  }
0xc1: {  	(tm) =	ssettm $0x7FFFFFFF  }
tec
execute0_lowered:
.L_overlay_start_1:
0x0: {  	(tag) =	ssettag $0x1  }
0x1: {  	v0 =	vimm.s32 $0xB80;
	vm0 =	vcmask $0x300  }
0x2: {  	vm14 =	vcmask $0x704;
	v0 =	vsel vm0, $0x0, v0  }
0x3: {  	vm15 =	vcmask $0xB08;
	v0 =	vsel vm14, $0x80, v0  }
0x4: {  	vm4 =	vcmask $0xF0C;
	v0 =	vsel vm15, $0x100, v0  }
0x5: {  	vm5 =	vcmask $0x1310;
	v0 =	vsel vm4, $0x180, v0  }
0x6: {  	vm6 =	vcmask $0x1714;
	v0 =	vsel vm5, $0x200, v0  }
0x7: {  	vm7 =	vcmask $0x1B18;
	v0 =	vsel vm6, $0x280, v0  }
0x8: {  	s1 =	srdreg.scid;
	vm8 =	vcmask $0x1F1C;
	v0 =	vsel vm7, $0x300, v0  }
0x9: {  	s4 =	rddreg [dreg:$0x0];
	s0 =	stileid.u32;
	vm9 =	vcmask $0x2320;
	s2 =	simm.s32 $0x0;
	v0 =	vsel vm8, $0x380, v0  }
0xa: {  	vm10 =	vcmask $0x2724;
	s8 =	simm.s32 $0x4000;
	s9 =	simm.s32 $0x5000;
	s10 =	simm.s32 $0x1;
	v0 =	vsel vm9, $0x800, v0  }
0xb: {  	vm11 =	vcmask $0x2B28;
	s11 =	simm.s32 $0x2;
	s12 =	simm.s32 $0x0;
	s5 =	sand.u32 $0x1, s1;
	v0 =	vsel vm10, $0x880, v0  }
0xc: {  	vm12 =	vcmask $0x2F2C;
	s1 =	rddreg [dreg:$0x1];
	s3 =	sshll.u32 s0, $0x9;
	s6 =	sshll.u32 s5, $0x8;
	v1 =	vsel vm11, $0x900, v0  }
0xd: {  	vm13 =	vcmask $0x3330;
	v4 =	vimm.s32 $0x1;
	[smem:$0x7FF] =	sst s2;
	s5 =	ssub.s32 $0x2, s5;
	s3 =	sor.u32 s6, s3;
	v2 =	vsel vm12, $0x980, v1  }
0xe: {  	_ =	strace $0x80000047;
	vm14 =	vcmask $0x3734;
	s7 =	sshrl.u32 s5, $0x1;
	vm15 =	vcmask $0x3B38;
	s6 =	sshll.u32 s3, $0x3;
	v3 =	vsel vm13, $0xA00, v2  }
0xf: {  	s7 =	ssub.s32 s5, s7;
	s6 =	sadd.s32 s6, s4;
	s4 =	sadd.s32 $0x11A00, s4;
	v0 =	vimm.s32 $0x0;
	v1 =	vlaneseq.u32;
	v5 =	vsel vm14, $0xA80, v3  }
0x10: {  	s5 =	sadd.s32 $0x1A00, s6;
	s6 =	smax.u32 s7, $0x1;
	s7 =	simm.s32 $0x3;
	v2 =	vmul.u32 $0x40, v1;
	v3 =	vand.u32 $0x7, v1;
	v5 =	vsel vm15, $0xB00, v5  }
.LBB2_1:
0x11: {  	[tilespmem:s2], [sflag:$0x3] =	stream.linear.gather [hbm4b:s5+s2], $0x4000, $0x38;
	[tilespmem:$0x6000] =	vst v63  }
0x12: {  	_ =	swait.ge [sflag:s7], $0x4000  }
0x13: {  	[sflag:s7] =	ssyncset.done $0x0  }
0x14: {  	s13 =	simm.s32 $0x0;
	[sflag:s7] =	ssyncadd.s32 $0xFFFFC000  }
.LBB2_2:
0x15: {  	p0 =	seq.s32 s13, $0x0  }
0x16: {  	s14 =	simm.s32 @!p0 $0x1  }
0x17: {  	_ =	swait.ge @!p0 [sflag:s14], $0x1000  }
0x18: {  	[sflag:s14] =	ssyncset.done @!p0 $0x0  }
0x19: {  	s15 =	simm.s32 $0x4040;
	[sflag:s14] =	ssyncadd.s32 @!p0 $0xFFFFF000  }
0x1a: {  	[tilespmem:s15+$0xFFFFFFC0] =	vst v0  }
0x1b: {  	[tilespmem:s15+$0x30] =	vst v0  }
0x1c: {  	[tilespmem:s15+$0x20] =	vst v0  }
0x1d: {  	[tilespmem:s15+$0x10] =	vst v0  }
0x1e: {  	[tilespmem:s15+$0x0] =	vst v0  }
0x1f: {  	[tilespmem:s15+$0xFFFFFFF0] =	vst v0  }
0x20: {  	s14 =	simm.s32 $0x0;
	[tilespmem:s15+$0xFFFFFFE0] =	vst v0  }
.LBB2_3:
0x21: {  	s14 =	sadd.s32 $0x80, s14;
	[tilespmem:s15+$0xFFFFFFD0] =	vst v0;
	s15 =	sadd.s32 $0x80, s15  }
0x22: {  	[tilespmem:s15+$0xFFFFFFC0] =	vst v0;
	p0 =	slt.u32 s14, $0xF80  }
0x23: {  	[tilespmem:s15+$0x30] =	vst v0  }
.Ltmp0:
0x24: {  	[tilespmem:s15+$0x20] =	vst v0;
	(pc) =	sbr.rel @p0 .LBB2_3-.Ltmp0, $4  }
0x25: {  	[tilespmem:s15+$0x10] =	vst v0  }
0x26: {  	[tilespmem:s15+$0x0] =	vst v0  }
0x27: {  	[tilespmem:s15+$0xFFFFFFF0] =	vst v0  }
0x28: {  	[tilespmem:s15+$0xFFFFFFE0] =	vst v0  }
0x29: {  	s14 =	sshll.u32 s13, $0x5  }
0x2a: {  	s16 =	simm.s32 $0x4;
	v6 =	vmov s14  }
0x2b: {  	s25 =	simm.s32 $0x7;
	v7 =	vadd.s32 s16, v1;
	v6 =	vshll.u32 v6, $0x6  }
0x2c: {  	s17 =	simm.s32 $0x5;
	v8 =	vadd.s32 s25, v1;
	v7 =	vand.u32 $0x3F, v7;
	v6 =	vor.u32 v2, v6  }
0x2d: {  	s26 =	simm.s32 $0x2;
	v9 =	vadd.s32 s17, v1;
	v8 =	vand.u32 $0x3F, v8;
	v7 =	vor.u32 v6, v7  }
0x2e: {  	v10 =	vadd.s32 s26, v1;
	v9 =	vand.u32 $0x3F, v9;
	v8 =	vor.u32 v6, v8  }
0x2f: {  	v10 =	vand.u32 $0x3F, v10;
	v9 =	vor.u32 v6, v9  }
0x30: {  	v10 =	vor.u32 v6, v10  }
0x31: {  	[tilespmem:s15+$0xFFFFFFD0] =	vst v0  }
0x32: {  	v12 =	vld.idx.msk [tilespmem:v7+s2+$0x0], $0xffff  }
0x33: {  	s28 =	simm.s32 $0x1;
	s29 =	simm.s32 $0x0;
	s30 =	simm.s32 $0x3;
	v8 =	vld.idx.msk [tilespmem:v8+s2+$0x0], $0xffff  }
0x34: {  	v11 =	vadd.s32 s28, v1;
	v13 =	vadd.s32 s29, v1;
	v14 =	vadd.s32 s30, v1;
	v15 =	vld.idx.msk [tilespmem:v9+s2+$0x0], $0xffff  }
0x35: {  	s31 =	simm.s32 $0x6;
	v13 =	vand.u32 $0x38, v13;
	v7 =	vand.u32 $0x3F, v11;
	v9 =	vand.u32 $0x3F, v14;
	v17 =	vld.idx.msk [tilespmem:v10+s2+$0x0], $0xffff  }
0x36: {  	v14 =	vadd.s32 s31, v1;
	v11 =	vor.u32 v6, v7;
	v7 =	vor.u32 v3, v6  }
0x37: {  	v16 =	vor.u32 v6, v9;
	v9 =	vand.u32 $0x3F, v14;
	v13 =	vor.u32 v13, v7  }
0x38: {  	v14 =	vor.u32 v6, v9  }
0x39: {  	v10 =	vshrl.u32 v12, $0x4;
	v18 =	vshll.u32 v12, $0x1;
	v20 =	vshll.u32 v8, $0x1  }
0x3a: {  	v22 =	vshrl.u32 v8, $0x4;
	v21 =	vand.u32 $0x7F, v17;
	v9 =	vand.u32 $0x18, v10  }
0x3b: {  	v10 =	vand.u32 $0x7F, v12;
	v19 =	vld.idx.msk [tilespmem:v11+s2+$0x0], $0xffff;
	v12 =	vand.u32 $0x7F, v8;
	v8 =	vshll.u32 v15, $0x1  }
0x3c: {  	v11 =	vshrl.u32 v15, $0x4;
	v23 =	vshll.u32 v4, v9;
	v9 =	vld.idx.msk [tilespmem:v13+s2+$0x0], $0xffff;
	v13 =	vand.u32 $0x7F, v15  }
0x3d: {  	v15 =	vand.u32 $0xFFFFFC00, v18;
	v24 =	vand.u32 $0xFFFFFC00, v8;
	v11 =	vand.u32 $0x18, v11  }
0x3e: {  	v18 =	vshll.u32 v17, $0x1;
	v8 =	vld.idx.msk [tilespmem:v16+s2+$0x0], $0xffff;
	v10 =	vor.u32 v10, v15;
	v11 =	vshll.u32 v4, v11  }
0x3f: {  	v14 =	vld.idx.msk [tilespmem:v14+s2+$0x0], $0xffff;
	v18 =	vand.u32 $0xFFFFFC00, v18;
	v15 =	vshrl.u32 v17, $0x4;
	v13 =	vor.u32 v13, v24  }
0x40: {  	v25 =	vadd.s32 v5, v10;
	v10 =	vand.u32 $0x18, v15;
	v16 =	vshll.u32 v19, $0x1  }
0x41: {  	v26 =	vand.u32 $0x7F, v19;
	v27 =	vshrl.u32 v19, $0x4;
	v19 =	vand.u32 $0x18, v22  }
0x42: {  	v22 =	vand.u32 $0xFFFFFC00, v20;
	v15 =	vand.u32 $0xFFFFFC00, v16;
	v16 =	vshll.u32 v9, $0x1  }
0x43: {  	v28 =	vand.u32 $0x7F, v9;
	v63 =	vshll.u32 v8, $0x1;
	v17 =	vand.u32 $0xFFFFFC00, v16  }
0x44: {  	v16 =	vadd.s32 v5, v13;
	v13 =	vor.u32 v26, v15;
	v15 =	vshll.u32 v14, $0x1  }
0x45: {  	v17 =	vor.u32 v28, v17;
	v20 =	vadd.s32 v5, v13;
	v15 =	vand.u32 $0xFFFFFC00, v15  }
0x46: {  	s15 =	simm.s32 $0x8;
	[tilespmem:v25+s8+$0x0] =	vst.idx.add.s32.msk $0xffff, v23;
	v23 =	vand.u32 $0x18, v27;
	v13 =	vadd.s32 v5, v17;
	v17 =	vand.u32 $0xFFFFFC00, v63  }
.LBB2_5:
0x47: {  	s16 =	sadd.s32 $0x1, s15  }
0x48: {  	s17 =	sadd.s32 $0x2, s15;
	s18 =	sadd.s32 $0x3, s15;
	v18 =	vor.u32 v21, v18;
	v21 =	vand.u32 $0x7F, v14;
	v12 =	vor.u32 v12, v22;
	s19 =	smov.u32 s15  }
0x49: {  	s20 =	sadd.s32 $0x6, s15;
	v23 =	vshll.u32 v4, v23;
	v22 =	vadd.s32 s16, v1;
	v24 =	vadd.s32 s17, v1;
	s16 =	sadd.s32 $0x4, s15;
	s17 =	sadd.s32 $0x5, s15  }
0x4a: {  	p0 =	slt.u32 s15, $0x38;
	v19 =	vshll.u32 v4, v19;
	s15 =	sadd.s32 $0x8, s15;
	v25 =	vadd.s32 s16, v1;
	v26 =	vadd.s32 s17, v1;
	s16 =	sadd.s32 $0x7, s19  }
0x4b: {  	v25 =	vand.u32 $0x3F, v25;
	v27 =	vadd.s32 s16, v1;
	[tilespmem:v20+s8+$0x0] =	vst.idx.add.s32.msk $0xffff, v23;
	v20 =	vadd.s32 v5, v12  }
0x4c: {  	v12 =	vadd.s32 s18, v1;
	v23 =	vor.u32 v6, v25;
	v25 =	vand.u32 $0x3F, v27  }
0x4d: {  	v14 =	vshrl.u32 v14, $0x4;
	v26 =	vand.u32 $0x3F, v26;
	v25 =	vor.u32 v6, v25  }
0x4e: {  	v24 =	vand.u32 $0x3F, v24;
	v12 =	vand.u32 $0x3F, v12;
	v26 =	vor.u32 v6, v26  }
0x4f: {  	v22 =	vand.u32 $0x3F, v22;
	v24 =	vor.u32 v6, v24;
	v12 =	vor.u32 v6, v12  }
0x50: {  	v18 =	vadd.s32 v5, v18;
	v22 =	vor.u32 v6, v22;
	v27 =	vadd.s32 s20, v1;
	[tilespmem:v16+s8+$0x0] =	vst.idx.add.s32.msk $0xffff, v11  }
0x51: {  	v11 =	vadd.s32 s19, v1;
	v16 =	vld.idx.msk [tilespmem:v23+s2+$0x0], $0xffff;
	v23 =	vand.u32 $0x3F, v27;
	v27 =	vand.u32 $0x7F, v8  }
0x52: {  	v14 =	vand.u32 $0x18, v14;
	v11 =	vand.u32 $0x38, v11;
	v23 =	vor.u32 v6, v23;
	v25 =	vld.idx.msk [tilespmem:v25+s2+$0x0], $0xffff  }
0x53: {  	v14 =	vshll.u32 v4, v14;
	v11 =	vor.u32 v11, v7;
	v17 =	vor.u32 v27, v17;
	v26 =	vld.idx.msk [tilespmem:v26+s2+$0x0], $0xffff  }
0x54: {  	v9 =	vshrl.u32 v9, $0x4;
	v10 =	vshll.u32 v4, v10;
	v17 =	vadd.s32 v5, v17;
	v27 =	vld.idx.msk [tilespmem:v12+s2+$0x0], $0xffff  }
0x55: {  	v9 =	vand.u32 $0x18, v9;
	v8 =	vshrl.u32 v8, $0x4;
	[tilespmem:v18+s8+$0x0] =	vst.idx.add.s32.msk $0xffff, v10;
	v10 =	vor.u32 v21, v15  }
0x56: {  	v9 =	vshll.u32 v4, v9;
	v8 =	vand.u32 $0x18, v8;
	v15 =	vld.idx.msk [tilespmem:v24+s2+$0x0], $0xffff;
	v10 =	vadd.s32 v5, v10  }
0x57: {  	v18 =	vshll.u32 v16, $0x1;
	v21 =	vand.u32 $0x7F, v16;
	v12 =	vshrl.u32 v16, $0x4;
	[tilespmem:v13+s8+$0x0] =	vst.idx.add.s32.msk $0xffff, v9  }
0x58: {  	v16 =	vand.u32 $0x18, v12;
	v12 =	vand.u32 $0x7F, v25;
	v13 =	vld.idx.msk [tilespmem:v22+s2+$0x0], $0xffff;
	v22 =	vshll.u32 v4, v8  }
0x59: {  	v24 =	vshll.u32 v25, $0x1;
	v25 =	vshrl.u32 v25, $0x4;
	v16 =	vshll.u32 v4, v16;
	v9 =	vld.idx.msk [tilespmem:v11+s2+$0x0], $0xffff  }
0x5a: {  	v28 =	vand.u32 $0x7F, v26;
	v11 =	vshll.u32 v26, $0x1;
	v26 =	vshrl.u32 v26, $0x4;
	v8 =	vmovc v27;
	[tilespmem:v20+s8+$0x0] =	vst.idx.add.s32.msk $0xffff, v19  }
0x5b: {  	v18 =	vand.u32 $0xFFFFFC00, v18;
	v19 =	vand.u32 $0xFFFFFC00, v11;
	v11 =	vand.u32 $0x18, v26;
	[tilespmem:v10+s8+$0x0] =	vst.idx.add.s32.msk $0xffff, v14  }
0x5c: {  	v10 =	vshll.u32 v15, $0x1;
	v14 =	vor.u32 v21, v18;
	v11 =	vshll.u32 v4, v11;
	[tilespmem:v17+s8+$0x0] =	vst.idx.add.s32.msk $0xffff, v22  }
0x5d: {  	v18 =	vand.u32 $0xFFFFFC00, v10;
	v10 =	vshrl.u32 v15, $0x4;
	v17 =	vadd.s32 v5, v14;
	v14 =	vld.idx.msk [tilespmem:v23+s2+$0x0], $0xffff  }
0x5e: {  	v20 =	vshll.u32 v13, $0x1;
	v22 =	vand.u32 $0x7F, v13;
	v10 =	vand.u32 $0x18, v10  }
0x5f: {  	v23 =	vshrl.u32 v13, $0x4;
	v20 =	vand.u32 $0xFFFFFC00, v20  }
0x60: {  	v21 =	vand.u32 $0x7F, v15;
	v13 =	vshll.u32 v9, $0x1;
	v26 =	vand.u32 $0x7F, v9  }
.Ltmp1:
0x61: {  	v15 =	vor.u32 v28, v19;
	v13 =	vand.u32 $0xFFFFFC00, v13;
	(pc) =	sbr.rel @p0 .LBB2_5-.Ltmp1, $4  }
0x62: {  	v27 =	vshll.u32 v8, $0x1;
	v19 =	vand.u32 $0x18, v25;
	[tilespmem:v17+s8+$0x0] =	vst.idx.add.s32.msk $0xffff, v16;
	v16 =	vadd.s32 v5, v15  }
0x63: {  	v15 =	vor.u32 v22, v20;
	v17 =	vshll.u32 v14, $0x1;
	v22 =	vand.u32 $0xFFFFFC00, v24  }
0x64: {  	v13 =	vor.u32 v26, v13;
	v20 =	vadd.s32 v5, v15;
	v15 =	vand.u32 $0xFFFFFC00, v17  }
0x65: {  	v23 =	vand.u32 $0x18, v23;
	v13 =	vadd.s32 v5, v13;
	v17 =	vand.u32 $0xFFFFFC00, v27  }
0x66: {  	v6 =	vor.u32 v21, v18  }
0x67: {  	v12 =	vor.u32 v12, v22;
	v6 =	vadd.s32 v5, v6  }
0x68: {  	v57 =	vand.u32 $0x7F, v8;
	v12 =	vadd.s32 v5, v12  }
0x69: {  	v7 =	vand.u32 $0x7F, v14;
	v56 =	vshll.u32 v4, v23;
	v58 =	vor.u32 v57, v17  }
0x6a: {  	[tilespmem:v16+s8+$0x0] =	vst.idx.add.s32.msk $0xffff, v11;
	v7 =	vor.u32 v7, v15;
	v59 =	vadd.s32 v5, v58  }
0x6b: {  	v9 =	vshrl.u32 v9, $0x4;
	v10 =	vshll.u32 v4, v10;
	[tilespmem:v20+s8+$0x0] =	vst.idx.add.s32.msk $0xffff, v56;
	v7 =	vadd.s32 v5, v7  }
0x6c: {  	v61 =	vshll.u32 v4, v19;
	v63 =	vshrl.u32 v8, $0x4;
	v9 =	vand.u32 $0x18, v9;
	[tilespmem:v6+s8+$0x0] =	vst.idx.add.s32.msk $0xffff, v10  }
0x6d: {  	v60 =	vshrl.u32 v14, $0x4;
	v8 =	vand.u32 $0x18, v63;
	v6 =	vshll.u32 v4, v9;
	[tilespmem:v12+s8+$0x0] =	vst.idx.add.s32.msk $0xffff, v61  }
0x6e: {  	s15 =	sadd.s32 s3, s14;
	v62 =	vand.u32 $0x18, v60;
	v8 =	vshll.u32 v4, v8;
	[tilespmem:v13+s8+$0x0] =	vst.idx.add.s32.msk $0xffff, v6  }
0x6f: {  	s15 =	sshll.u32 s15, $0x5;
	v6 =	vshll.u32 v4, v62;
	[tilespmem:v59+s8+$0x0] =	vst.idx.add.s32.msk $0xffff, v8  }
0x70: {  	p0 =	sne.s32 s13, $0x0;
	s15 =	sadd.s32 s4, s15;
	[tilespmem:v7+s8+$0x0] =	vst.idx.add.s32.msk $0xffff, v6  }
0x71: {  	[hbm4b:s15+s2] =	stream.linear.scatter [tilespmem:s8], [sflag:$0x1], $0x1000, $0x38;
	[tilespmem:$0x6000] =	vst v63  }
0x72: {  	s15 =	simm.s32 @p0 $0x2  }
0x73: {  	_ =	swait.ge @p0 [sflag:s15], $0x1000  }
0x74: {  	[sflag:s15] =	ssyncset.done @p0 $0x0  }
0x75: {  	[sflag:s15] =	ssyncadd.s32 @p0 $0xFFFFF000;
	s15 =	simm.s32 $0x5040  }
0x76: {  	[tilespmem:s15+$0xFFFFFFC0] =	vst v0  }
0x77: {  	[tilespmem:s15+$0x30] =	vst v0  }
0x78: {  	[tilespmem:s15+$0x20] =	vst v0  }
0x79: {  	[tilespmem:s15+$0x10] =	vst v0  }
0x7a: {  	[tilespmem:s15+$0x0] =	vst v0  }
0x7b: {  	[tilespmem:s15+$0xFFFFFFF0] =	vst v0  }
0x7c: {  	s14 =	sor.u32 $0x10, s14;
	s16 =	simm.s32 $0x0;
	[tilespmem:s15+$0xFFFFFFE0] =	vst v0  }
.LBB2_7:
0x7d: {  	s16 =	sadd.s32 $0x80, s16;
	[tilespmem:s15+$0xFFFFFFD0] =	vst v0;
	s15 =	sadd.s32 $0x80, s15  }
0x7e: {  	[tilespmem:s15+$0xFFFFFFC0] =	vst v0;
	p0 =	slt.u32 s16, $0xF80  }
0x7f: {  	[tilespmem:s15+$0x30] =	vst v0  }
.Ltmp2:
0x80: {  	[tilespmem:s15+$0x20] =	vst v0;
	(pc) =	sbr.rel @p0 .LBB2_7-.Ltmp2, $4  }
0x81: {  	[tilespmem:s15+$0x10] =	vst v0  }
0x82: {  	[tilespmem:s15+$0x0] =	vst v0  }
0x83: {  	[tilespmem:s15+$0xFFFFFFF0] =	vst v0  }
0x84: {  	[tilespmem:s15+$0xFFFFFFE0] =	vst v0  }
0x85: {  	v6 =	vmov s14;
	s16 =	simm.s32 $0x4  }
0x86: {  	s26 =	simm.s32 $0x7;
	v6 =	vshll.u32 v6, $0x6;
	v8 =	vadd.s32 s16, v1  }
0x87: {  	s17 =	simm.s32 $0x5;
	v9 =	vadd.s32 s26, v1;
	v6 =	vor.u32 v2, v6;
	v8 =	vand.u32 $0x3F, v8  }
0x88: {  	s28 =	simm.s32 $0x2;
	v10 =	vadd.s32 s17, v1;
	v9 =	vand.u32 $0x3F, v9;
	v8 =	vor.u32 v6, v8  }
0x89: {  	s29 =	simm.s32 $0x1;
	v11 =	vadd.s32 s28, v1;
	v10 =	vand.u32 $0x3F, v10;
	v9 =	vor.u32 v6, v9  }
0x8a: {  	v12 =	vadd.s32 s29, v1;
	v11 =	vand.u32 $0x3F, v11;
	v10 =	vor.u32 v6, v10  }
0x8b: {  	v12 =	vand.u32 $0x3F, v12;
	v11 =	vor.u32 v6, v11  }
0x8c: {  	[tilespmem:s15+$0xFFFFFFD0] =	vst v0;
	v12 =	vor.u32 v6, v12  }
0x8d: {  	s25 =	simm.s32 $0x0;
	v8 =	vld.idx.msk [tilespmem:v8+s2+$0x0], $0xffff  }
0x8e: {  	v13 =	vadd.s32 s25, v1;
	v9 =	vld.idx.msk [tilespmem:v9+s2+$0x0], $0xffff  }
0x8f: {  	s30 =	simm.s32 $0x3;
	s31 =	simm.s32 $0x6;
	v13 =	vand.u32 $0x38, v13;
	v7 =	vor.u32 v3, v6;
	v10 =	vld.idx.msk [tilespmem:v10+s2+$0x0], $0xffff  }
0x90: {  	v14 =	vadd.s32 s30, v1;
	v15 =	vadd.s32 s31, v1;
	v13 =	vor.u32 v13, v7;
	v16 =	vld.idx.msk [tilespmem:v11+s2+$0x0], $0xffff  }
0x91: {  	v14 =	vand.u32 $0x3F, v14;
	v15 =	vand.u32 $0x3F, v15;
	v19 =	vld.idx.msk [tilespmem:v12+s2+$0x0], $0xffff  }
0x92: {  	v14 =	vor.u32 v6, v14;
	v15 =	vor.u32 v6, v15  }
0x93: {  	v11 =	vshrl.u32 v8, $0x4;
	v17 =	vshll.u32 v8, $0x1;
	v18 =	vand.u32 $0x7F, v8  }
0x94: {  	v12 =	vand.u32 $0x7F, v9;
	v20 =	vshll.u32 v9, $0x1;
	v22 =	vshrl.u32 v9, $0x4  }
0x95: {  	v8 =	vshll.u32 v10, $0x1;
	v9 =	vld.idx.msk [tilespmem:v13+s2+$0x0], $0xffff;
	v13 =	vand.u32 $0x7F, v10;
	v10 =	vshrl.u32 v10, $0x4  }
0x96: {  	v21 =	vshll.u32 v16, $0x1;
	v25 =	vand.u32 $0x7F, v19;
	v11 =	vand.u32 $0x18, v11  }
0x97: {  	v26 =	vshrl.u32 v19, $0x4;
	v23 =	vshll.u32 v4, v11;
	v11 =	vand.u32 $0xFFFFFC00, v17  }
0x98: {  	v10 =	vand.u32 $0x18, v10;
	v17 =	vand.u32 $0xFFFFFC00, v8;
	v8 =	vld.idx.msk [tilespmem:v14+s2+$0x0], $0xffff;
	v14 =	vor.u32 v18, v11  }
0x99: {  	v11 =	vshll.u32 v4, v10;
	v18 =	vand.u32 $0xFFFFFC00, v21;
	v10 =	vshrl.u32 v16, $0x4  }
0x9a: {  	v21 =	vand.u32 $0x7F, v16;
	v13 =	vor.u32 v13, v17;
	v24 =	vadd.s32 v5, v14;
	v14 =	vld.idx.msk [tilespmem:v15+s2+$0x0], $0xffff  }
0x9b: {  	v15 =	vshll.u32 v19, $0x1;
	v10 =	vand.u32 $0x18, v10;
	v16 =	vadd.s32 v5, v13  }
0x9c: {  	v15 =	vand.u32 $0xFFFFFC00, v15;
	v19 =	vshll.u32 v9, $0x1;
	v27 =	vand.u32 $0x7F, v9  }
0x9d: {  	v28 =	vand.u32 $0xFFFFFC00, v19;
	v19 =	vand.u32 $0x18, v22;
	v13 =	vor.u32 v25, v15  }
0x9e: {  	v22 =	vand.u32 $0xFFFFFC00, v20;
	v17 =	vshll.u32 v8, $0x1;
	v63 =	vor.u32 v27, v28  }
0x9f: {  	v20 =	vadd.s32 v5, v13;
	v13 =	vadd.s32 v5, v63;
	v15 =	vshll.u32 v14, $0x1  }
0xa0: {  	s15 =	simm.s32 $0x8;
	v17 =	vand.u32 $0xFFFFFC00, v17;
	[tilespmem:v24+s9+$0x0] =	vst.idx.add.s32.msk $0xffff, v23;
	v23 =	vand.u32 $0x18, v26;
	v15 =	vand.u32 $0xFFFFFC00, v15  }
.LBB2_9:
0xa1: {  	s16 =	sadd.s32 $0x1, s15  }
0xa2: {  	s17 =	sadd.s32 $0x2, s15;
	s18 =	sadd.s32 $0x3, s15;
	v18 =	vor.u32 v21, v18;
	v21 =	vand.u32 $0x7F, v14;
	v12 =	vor.u32 v12, v22;
	s19 =	smov.u32 s15  }
0xa3: {  	s20 =	sadd.s32 $0x6, s15;
	v23 =	vshll.u32 v4, v23;
	v22 =	vadd.s32 s16, v1;
	v24 =	vadd.s32 s17, v1;
	s16 =	sadd.s32 $0x4, s15;
	s17 =	sadd.s32 $0x5, s15  }
0xa4: {  	p0 =	slt.u32 s15, $0x38;
	v19 =	vshll.u32 v4, v19;
	s15 =	sadd.s32 $0x8, s15;
	v25 =	vadd.s32 s16, v1;
	v26 =	vadd.s32 s17, v1;
	s16 =	sadd.s32 $0x7, s19  }
0xa5: {  	v25 =	vand.u32 $0x3F, v25;
	v27 =	vadd.s32 s16, v1;
	[tilespmem:v20+s9+$0x0] =	vst.idx.add.s32.msk $0xffff, v23;
	v20 =	vadd.s32 v5, v12  }
0xa6: {  	v12 =	vadd.s32 s18, v1;
	v23 =	vor.u32 v6, v25;
	v25 =	vand.u32 $0x3F, v27  }
0xa7: {  	v14 =	vshrl.u32 v14, $0x4;
	v26 =	vand.u32 $0x3F, v26;
	v25 =	vor.u32 v6, v25  }
0xa8: {  	v24 =	vand.u32 $0x3F, v24;
	v12 =	vand.u32 $0x3F, v12;
	v26 =	vor.u32 v6, v26  }
0xa9: {  	v22 =	vand.u32 $0x3F, v22;
	v24 =	vor.u32 v6, v24;
	v12 =	vor.u32 v6, v12  }
0xaa: {  	v18 =	vadd.s32 v5, v18;
	v22 =	vor.u32 v6, v22;
	v27 =	vadd.s32 s20, v1;
	[tilespmem:v16+s9+$0x0] =	vst.idx.add.s32.msk $0xffff, v11  }
0xab: {  	v11 =	vadd.s32 s19, v1;
	v16 =	vld.idx.msk [tilespmem:v23+s2+$0x0], $0xffff;
	v23 =	vand.u32 $0x3F, v27;
	v27 =	vand.u32 $0x7F, v8  }
0xac: {  	v14 =	vand.u32 $0x18, v14;
	v11 =	vand.u32 $0x38, v11;
	v23 =	vor.u32 v6, v23;
	v25 =	vld.idx.msk [tilespmem:v25+s2+$0x0], $0xffff  }
0xad: {  	v14 =	vshll.u32 v4, v14;
	v11 =	vor.u32 v11, v7;
	v17 =	vor.u32 v27, v17;
	v26 =	vld.idx.msk [tilespmem:v26+s2+$0x0], $0xffff  }
0xae: {  	v9 =	vshrl.u32 v9, $0x4;
	v10 =	vshll.u32 v4, v10;
	v17 =	vadd.s32 v5, v17;
	v27 =	vld.idx.msk [tilespmem:v12+s2+$0x0], $0xffff  }
0xaf: {  	v9 =	vand.u32 $0x18, v9;
	v8 =	vshrl.u32 v8, $0x4;
	[tilespmem:v18+s9+$0x0] =	vst.idx.add.s32.msk $0xffff, v10;
	v10 =	vor.u32 v21, v15  }
0xb0: {  	v9 =	vshll.u32 v4, v9;
	v8 =	vand.u32 $0x18, v8;
	v15 =	vld.idx.msk [tilespmem:v24+s2+$0x0], $0xffff;
	v10 =	vadd.s32 v5, v10  }
0xb1: {  	v18 =	vshll.u32 v16, $0x1;
	v21 =	vand.u32 $0x7F, v16;
	v12 =	vshrl.u32 v16, $0x4;
	[tilespmem:v13+s9+$0x0] =	vst.idx.add.s32.msk $0xffff, v9  }
0xb2: {  	v16 =	vand.u32 $0x18, v12;
	v12 =	vand.u32 $0x7F, v25;
	v13 =	vld.idx.msk [tilespmem:v22+s2+$0x0], $0xffff;
	v22 =	vshll.u32 v4, v8  }
0xb3: {  	v24 =	vshll.u32 v25, $0x1;
	v25 =	vshrl.u32 v25, $0x4;
	v16 =	vshll.u32 v4, v16;
	v9 =	vld.idx.msk [tilespmem:v11+s2+$0x0], $0xffff  }
0xb4: {  	v28 =	vand.u32 $0x7F, v26;
	v11 =	vshll.u32 v26, $0x1;
	v26 =	vshrl.u32 v26, $0x4;
	v8 =	vmovc v27;
	[tilespmem:v20+s9+$0x0] =	vst.idx.add.s32.msk $0xffff, v19  }
0xb5: {  	v18 =	vand.u32 $0xFFFFFC00, v18;
	v19 =	vand.u32 $0xFFFFFC00, v11;
	v11 =	vand.u32 $0x18, v26;
	[tilespmem:v10+s9+$0x0] =	vst.idx.add.s32.msk $0xffff, v14  }
0xb6: {  	v10 =	vshll.u32 v15, $0x1;
	v14 =	vor.u32 v21, v18;
	v11 =	vshll.u32 v4, v11;
	[tilespmem:v17+s9+$0x0] =	vst.idx.add.s32.msk $0xffff, v22  }
0xb7: {  	v18 =	vand.u32 $0xFFFFFC00, v10;
	v10 =	vshrl.u32 v15, $0x4;
	v17 =	vadd.s32 v5, v14;
	v14 =	vld.idx.msk [tilespmem:v23+s2+$0x0], $0xffff  }
0xb8: {  	v20 =	vshll.u32 v13, $0x1;
	v22 =	vand.u32 $0x7F, v13;
	v10 =	vand.u32 $0x18, v10  }
0xb9: {  	v23 =	vshrl.u32 v13, $0x4;
	v20 =	vand.u32 $0xFFFFFC00, v20  }
0xba: {  	v21 =	vand.u32 $0x7F, v15;
	v13 =	vshll.u32 v9, $0x1;
	v26 =	vand.u32 $0x7F, v9  }
.Ltmp3:
0xbb: {  	v15 =	vor.u32 v28, v19;
	v13 =	vand.u32 $0xFFFFFC00, v13;
	(pc) =	sbr.rel @p0 .LBB2_9-.Ltmp3, $4  }
0xbc: {  	v27 =	vshll.u32 v8, $0x1;
	v19 =	vand.u32 $0x18, v25;
	[tilespmem:v17+s9+$0x0] =	vst.idx.add.s32.msk $0xffff, v16;
	v16 =	vadd.s32 v5, v15  }
0xbd: {  	v15 =	vor.u32 v22, v20;
	v17 =	vshll.u32 v14, $0x1;
	v22 =	vand.u32 $0xFFFFFC00, v24  }
0xbe: {  	v13 =	vor.u32 v26, v13;
	v20 =	vadd.s32 v5, v15;
	v15 =	vand.u32 $0xFFFFFC00, v17  }
0xbf: {  	v23 =	vand.u32 $0x18, v23;
	v13 =	vadd.s32 v5, v13;
	v17 =	vand.u32 $0xFFFFFC00, v27  }
0xc0: {  	v6 =	vor.u32 v21, v18  }
0xc1: {  	v12 =	vor.u32 v12, v22;
	v6 =	vadd.s32 v5, v6  }
0xc2: {  	v57 =	vand.u32 $0x7F, v8;
	v12 =	vadd.s32 v5, v12  }
0xc3: {  	v7 =	vand.u32 $0x7F, v14;
	v56 =	vshll.u32 v4, v23;
	v58 =	vor.u32 v57, v17  }
0xc4: {  	[tilespmem:v16+s9+$0x0] =	vst.idx.add.s32.msk $0xffff, v11;
	v7 =	vor.u32 v7, v15;
	v59 =	vadd.s32 v5, v58  }
0xc5: {  	v9 =	vshrl.u32 v9, $0x4;
	v10 =	vshll.u32 v4, v10;
	s13 =	sadd.s32 $0x1, s13;
	[tilespmem:v20+s9+$0x0] =	vst.idx.add.s32.msk $0xffff, v56;
	v7 =	vadd.s32 v5, v7  }
0xc6: {  	v61 =	vshll.u32 v4, v19;
	v63 =	vshrl.u32 v8, $0x4;
	v9 =	vand.u32 $0x18, v9;
	p0 =	sne.s32 s13, $0x8;
	[tilespmem:v6+s9+$0x0] =	vst.idx.add.s32.msk $0xffff, v10  }
.Ltmp4:
0xc7: {  	v60 =	vshrl.u32 v14, $0x4;
	v8 =	vand.u32 $0x18, v63;
	v6 =	vshll.u32 v4, v9;
	[tilespmem:v12+s9+$0x0] =	vst.idx.add.s32.msk $0xffff, v61;
	(pc) =	sbr.rel @p0 .LBB2_2-.Ltmp4, $4  }
0xc8: {  	s14 =	sadd.s32 s3, s14;
	v62 =	vand.u32 $0x18, v60;
	v8 =	vshll.u32 v4, v8;
	[tilespmem:v13+s9+$0x0] =	vst.idx.add.s32.msk $0xffff, v6  }
0xc9: {  	s14 =	sshll.u32 s14, $0x5;
	v6 =	vshll.u32 v4, v62;
	[tilespmem:v59+s9+$0x0] =	vst.idx.add.s32.msk $0xffff, v8  }
0xca: {  	s14 =	sadd.s32 s4, s14;
	[tilespmem:v7+s9+$0x0] =	vst.idx.add.s32.msk $0xffff, v6  }
0xcb: {  	[hbm4b:s14+s2] =	stream.linear.scatter [tilespmem:s9], [sflag:$0x2], $0x1000, $0x38;
	[tilespmem:$0x6000] =	vst v63  }
0xcc: {  	s12 =	sadd.s32 $0x1, s12  }
0xcd: {  	_ =	swait.ge [sflag:s10], $0x1000;
	p0 =	sne.s32 s12, s6  }
.Ltmp5:
0xce: {  	[sflag:s10] =	ssyncset.done $0x0;
	(pc) =	sbr.rel @p0 .LBB2_1-.Ltmp5, $4  }
0xcf: {  	[sflag:s10] =	ssyncadd.s32 $0xFFFFF000  }
0xd0: {  	_ =	swait.ge [sflag:s11], $0x1000  }
0xd1: {  	[sflag:s11] =	ssyncset.done $0x0  }
0xd2: {  	[sflag:s11] =	ssyncadd.s32 $0xFFFFF000  }
0xd3: {  	_ =	sfence.sel $0x180000  }
0xd4: {  	[bflag:$0x0] =	sbarrier.arrive $0xFFFF  }
0xd5: {  	p0 =	sne.s32 s0, $0x0;
	_ =	strace $0x90000047  }
0xd6: {  	s0 =	sadd.s32 @!p0 $0x100000, s1;
	[bflag:$0x2] =	sbarrier.arrive $0xFFFF  }
0xd7: {  	[sflag:s0] =	ssyncadd.tile.s32 @!p0 $0x1;
	_ =	shalt  }
.Lfunc_end2:
_tile_overlayer_lowered:
.L_overlay_start_2:
0xd8: {  	(tag) =	ssettag $0x2  }
0xd9: {  	s0 =	rddreg [dreg:$0x0];
	s2 =	stileid.u32  }
0xda: {  	s1 =	rddreg [dreg:$0x1];
	p0 =	sne.s32 s2, $0x0  }
0xdb: {  	s3 =	rddreg [dreg:$0x2];
	[bflag:$0x3] =	sbarrier.arrive $0xFFFF;
	s2 =	simm.s32 @!p0 $0x1C03  }
0xdc: {  	[timem:s3], [sflag:s2] =	dma.local @!p0 [hbm:s0], s1  }
0xdd: {  	s0 =	simm.s32 @!p0 $0x3  }
0xde: {  	_ =	swait.ge @!p0 [sflag:s0], s1  }
0xdf: {  	s1 =	ssub.s32 @!p0 $0x0, s1;
	[sflag:s0] =	ssyncset.done @!p0 $0x0  }
0xe0: {  	[sflag:s0] =	ssyncadd.s32 @!p0 s1  }
0xe1: {  	[bflag:$0x3] =	sbarrier.arrive $0xFFFF  }
0xe2: {  	_ =	shalt  }

// kernel: kernel.7.cloned.1.call-start
scs
__scs_entry_jumppad:
0x0: {  	(pc) =	sbr.rel $0x88, $3  }
0x1: {  	(tag) =	ssettag $0x0;
	lr =	simm.s32 $0x1  }
0x2: {  	[smem:$0x3F99] =	sst lr;
	_ =	strace $0xD0000000  }
0x3: {  	_ = 	snop  }
0x4: {  	_ = 	snop  }
0x5: {  	_ = 	snop  }
0x6: {  	_ = 	snop  }
0x7: {  	_ = 	snop  }
__scs_overlays_trampoline_lowered:
0x8: {  	[smem:$0x3FA8] =	sst s0  }
0x9: {  	[smem:$0x3FA9] =	sst s1  }
0xa: {  	[smem:$0x3FAA] =	sst s2  }
0xb: {  	[smem:$0x3FAB] =	sst s3  }
0xc: {  	[smem:$0x3FAC] =	sst s4  }
0xd: {  	[smem:$0x3FAD] =	sst s5  }
0xe: {  	[smem:$0x3FAE] =	sst s6  }
0xf: {  	[smem:$0x3FAF] =	sst s7  }
0x10: {  	[smem:$0x3FB0] =	sst s8  }
0x11: {  	[smem:$0x3FB1] =	sst s9;
	s0 =	simm.s32 @!p0 $0x0  }
0x12: {  	s1 =	sld [smem:$0x3F97];
	s0 =	simm.s32 @p0 $0x1  }
0x13: {  	[smem:$0x3FB2] =	sst s0;
	s0 =	simm.s32 @!p1 $0x0  }
0x14: {  	s2 =	sld [smem:$0x3F96];
	s0 =	simm.s32 @p1 $0x1  }
0x15: {  	[smem:$0x3FB3] =	sst s0;
	s0 =	simm.s32 @!p2 $0x0  }
0x16: {  	s3 =	sld [smem:$0x3FDB];
	s0 =	simm.s32 @p2 $0x1  }
0x17: {  	s4 =	simm.s32 $0x1BF5;
	[smem:$0x3FB5] =	sst s0  }
0x18: {  	s0 =	sld [smem:$0x3F98];
	_ =	swait.ge [sflag:s4], $0x0  }
0x19: {  	s7 =	sld [smem:$0x3F99]  }
0x1a: {  	s8 =	sadd.s32 $0xFFFFE003, lr  }
0x1b: {  	s9 =	sadd.s32 $0xFFFFFEF7, lr;
	s5 =	simm.s32 $0xFFFFFFFF;
	p2 =	slt.u32 s8, $0xFFFFF086  }
0x1c: {  	p1 =	slt.u32 s9, $0xF7A;
	s5 =	simm.s32 @!p2 $0x0  }
0x1d: {  	s5 =	simm.s32 @p1 $0x1;
	p0 =	seq.s32 s7, s2  }
0x1e: {  	s7 =	smul.u32 @!p0 $0xF7A, s2;
	p2 =	seq.s32 @!p0 s5, $0x0  }
0x1f: {  	s9 =	smul.u32 $0xF7A, s1;
	s8 =	simm.s32 @!p0 $0x1BF5;
	p2 =	por !p2, p0  }
0x20: {  	[sflag:s8] =	ssyncset.s32 @!p0 $0xFFFFF086;
	s6 =	sadd.s32 @!p0 s3, s7;
	s7 =	simm.s32 @!p0 $0x108  }
0x21: {  	s3 =	sadd.s32 s3, s9;
	s6 =	sadd.s32 @!p0 $0x88, s6;
	s7 =	simm.s32 @p2 $0x1082  }
0x22: {  	[simem:s7], [sflag:s8] =	dma.local @!p0 [hbm:s6], $0xF7A  }
0x23: {  	s9 =	sor.u32 $0xD0000000, s2;
	s6 =	simm.s32 $0x108;
	_ =	swait.ge @!p0 [sflag:s8], $0x0  }
0x24: {  	s3 =	sadd.s32 $0x88, s3;
	s6 =	simm.s32 @!p1 $0x1082;
	[sflag:s4] =	ssyncset.s32 $0xFFFFF086  }
0x25: {  	[simem:s6], [sflag:s4] =	dma.local [hbm:s3], $0xF7A  }
0x26: {  	[smem:$0x3F99] =	sst s1;
	(tag) =	ssettag s2;
	_ =	strace s9  }
0x27: {  	s1 =	sld [smem:$0x3FA9]  }
0x28: {  	s2 =	sld [smem:$0x3FAA]  }
0x29: {  	s4 =	sld [smem:$0x3FAC]  }
0x2a: {  	p0 =	seq.s32 s5, $0x0;
	s5 =	sld [smem:$0x3FAD]  }
0x2b: {  	s6 =	sld [smem:$0x3FAE]  }
0x2c: {  	s7 =	sld [smem:$0x3FAF]  }
0x2d: {  	s3 =	simm.s32 $0x108;
	s8 =	sld [smem:$0x3FB0]  }
0x2e: {  	s3 =	simm.s32 @!p0 $0x1082;
	s9 =	sld [smem:$0x3FB1]  }
0x2f: {  	lr =	sadd.s32 s0, s3;
	s0 =	sld [smem:$0x3FA8]  }
0x30: {  	s3 =	sld [smem:$0x3FAB]  }
0x31: {  	[smem:$0x3FB4] =	sst s10  }
0x32: {  	s10 =	sld [smem:$0x3FB2];
	_ =	sdelay $0x3  }
0x33: {  	p0 =	seq.s32 s10, $0x1;
	s10 =	sld [smem:$0x3FB4];
	_ =	sdelay $0x3  }
0x34: {  	[smem:$0x3FB4] =	sst s10  }
0x35: {  	s10 =	sld [smem:$0x3FB3];
	_ =	sdelay $0x3  }
0x36: {  	p1 =	seq.s32 s10, $0x1;
	s10 =	sld [smem:$0x3FB4];
	_ =	sdelay $0x3  }
0x37: {  	[smem:$0x3FB4] =	sst s10  }
0x38: {  	s10 =	sld [smem:$0x3FB5]  }
0x39: {  	_ = 	snop;
	(pc) =	sbr.ind lr, $3  }
0x3a: {  	_ = 	snop  }
0x3b: {  	_ = 	snop  }
0x3c: {  	p2 =	seq.s32 s10, $0x1;
	s10 =	sld [smem:$0x3FB4]  }
0x3d: {  	_ =	shalt  }
0x3e: {  	_ =	shalt  }
0x3f: {  	_ =	shalt  }
0x40: {  	_ =	shalt  }
0x41: {  	_ =	shalt  }
0x42: {  	_ =	shalt  }
0x43: {  	_ =	shalt  }
0x44: {  	_ =	shalt  }
0x45: {  	_ =	shalt  }
0x46: {  	_ =	shalt  }
0x47: {  	_ =	shalt  }
0x48: {  	_ =	shalt  }
0x49: {  	_ =	shalt  }
0x4a: {  	_ =	shalt  }
0x4b: {  	_ =	shalt  }
0x4c: {  	_ =	shalt  }
0x4d: {  	_ =	shalt  }
0x4e: {  	_ =	shalt  }
0x4f: {  	_ =	shalt  }
0x50: {  	_ =	shalt  }
0x51: {  	_ =	shalt  }
0x52: {  	_ =	shalt  }
0x53: {  	_ =	shalt  }
0x54: {  	_ =	shalt  }
0x55: {  	_ =	shalt  }
0x56: {  	_ =	shalt  }
0x57: {  	_ =	shalt  }
0x58: {  	_ =	shalt  }
0x59: {  	_ =	shalt  }
0x5a: {  	_ =	shalt  }
0x5b: {  	_ =	shalt  }
0x5c: {  	_ =	shalt  }
0x5d: {  	_ =	shalt  }
0x5e: {  	_ =	shalt  }
0x5f: {  	_ =	shalt  }
0x60: {  	_ =	shalt  }
0x61: {  	_ =	shalt  }
0x62: {  	_ =	shalt  }
0x63: {  	_ =	shalt  }
0x64: {  	_ =	shalt  }
0x65: {  	_ =	shalt  }
0x66: {  	_ =	shalt  }
0x67: {  	_ =	shalt  }
0x68: {  	_ =	shalt  }
0x69: {  	_ =	shalt  }
0x6a: {  	_ =	shalt  }
0x6b: {  	_ =	shalt  }
0x6c: {  	_ =	shalt  }
0x6d: {  	_ =	shalt  }
0x6e: {  	_ =	shalt  }
0x6f: {  	_ =	shalt  }
0x70: {  	_ =	shalt  }
0x71: {  	_ =	shalt  }
0x72: {  	_ =	shalt  }
0x73: {  	_ =	shalt  }
0x74: {  	_ =	shalt  }
0x75: {  	_ =	shalt  }
0x76: {  	_ =	shalt  }
0x77: {  	_ =	shalt  }
0x78: {  	_ =	shalt  }
0x79: {  	_ =	shalt  }
0x7a: {  	_ =	shalt  }
0x7b: {  	_ =	shalt  }
0x7c: {  	_ =	shalt  }
0x7d: {  	_ =	shalt  }
0x7e: {  	_ =	shalt  }
0x7f: {  	_ =	shalt  }
0x80: {  	_ =	shalt  }
0x81: {  	_ =	shalt  }
0x82: {  	_ =	shalt  }
0x83: {  	_ =	shalt  }
0x84: {  	_ =	shalt  }
0x85: {  	_ =	shalt  }
0x86: {  	_ =	shalt  }
0x87: {  	_ =	shalt  }
.Lfunc_end0:
.L_simem_size_0:
called_computation_lowered:
.L_overlay_start_0:
0x88: {  	s2 =	sld [smem:$0x3FD9]  }
0x89: {  	s3 =	sld [smem:$0x3FFE];
	_ =	sdelay $0x1  }
0x8a: {  	s1 =	srdreg.scid  }
0x8b: {  	s0 =	sand.u32 $0x1, s1  }
0x8c: {  	s17 =	sshll.u32 s0, $0xA;
	s2 =	sadd.s32 s3, s2  }
0x8d: {  	s2 =	sadd.s32 s2, s17  }
0x8e: {  	[smem:$0x3FC0] =	sst s2  }
0x8f: {  	_ = 	snop  }
0x90: {  	(tm) =	ssettm $0x1  }
0x91: {  	s18 =	sld [smem:$0x3FFB];
	_ =	sdelay $0x3  }
0x92: {  	_ =	strace s18  }
0x93: {  	s2 =	sld [smem:$0x3FFC];
	_ =	sdelay $0x3  }
0x94: {  	_ =	strace s2  }
0x95: {  	s2 =	sld [smem:$0x3FFD];
	_ =	sdelay $0x3  }
0x96: {  	_ =	strace s2  }
0x97: {  	_ =	strace $0x8FFFFFFF  }
0x98: {  	s19 =	sld [smem:$0x3FDB];
	_ =	sdelay $0x1  }
0x99: {  	s20 =	simm.s32 $_scs_section_size  }
0x9a: {  	s4 =	simm.s32 $_size__tile_overlayer_lowered;
	s5 =	simm.s32 $_tile_overlayer_lowered  }
0x9b: {  	s6 =	simm.s32 $0x1BFF;
	s21 =	sshll.u32 s5, $0x1;
	s3 =	sadd.s32 s20, s19  }
0x9c: {  	s22 =	simm.s32 $0x0;
	s4 =	sshll.u32 s4, $0x1;
	s5 =	sadd.s32 s21, s3  }
0x9d: {  	[timem:s22], [sflag:s6] =	dma.local [hbm:s5], s4  }
0x9e: {  	_ =	swait.ge [sflag:s6], s4  }
0x9f: {  	s4 =	ssub.s32 $0x0, s4;
	[sflag:s6] =	ssyncset.done $0x0  }
0xa0: {  	[sflag:s6] =	ssyncadd.s32 s4;
	_ =	sdelay $0x1  }
0xa1: {  	s23 =	simm.s32 $0x1B8B  }
0xa2: {  	_ =	swait.ge [sflag:s23], $0x1  }
0xa3: {  	[sflag:s23] =	ssyncset.done $0x0  }
0xa4: {  	[sflag:s23] =	ssyncadd.s32 $0xFFFFFFFF  }
0xa5: {  	s4 =	sld [smem:$0x0]  }
0xa6: {  	s5 =	sand.u32 $0xFFFFFFFE, s1  }
0xa7: {  	p0 =	sne.s32 s1, s5  }
0xa8: {  	s5 =	sshll.u32 @p0 s5, $0xE  }
0xa9: {  	s5 =	sadd.s32 @p0 $0x11B8D, s5;
	s6 =	sshll.u32 @p0 s4, $0x11  }
0xaa: {  	s5 =	sor.u32 @p0 s6, s5  }
0xab: {  	[sflag:s5] =	ssyncadd.remote.s32 @p0 $0x1;
	_ =	sdelay $0x1  }
0xac: {  	s5 =	simm.s32 @p0 $0x1B8D  }
0xad: {  	_ =	swait.eq @p0 [sflag:s5], $0x1  }
0xae: {  	[sflag:s5] =	ssyncadd.s32 @p0 $0xFFFFFFFF  }
0xaf: {  	s6 =	sshll.u32 @!p0 s1, $0xE  }
0xb0: {  	s6 =	sor.u32 @!p0 $0x4000, s6;
	s5 =	simm.s32 @!p0 $0x1B8D  }
0xb1: {  	s4 =	sshll.u32 @!p0 s4, $0x11;
	s6 =	sadd.s32 @!p0 $0x11B8D, s6;
	_ =	swait.eq @!p0 [sflag:s5], $0x1  }
0xb2: {  	s4 =	sor.u32 @!p0 s4, s6;
	[sflag:s5] =	ssyncadd.s32 @!p0 $0xFFFFFFFF  }
0xb3: {  	s25 =	simm.s32 $0x1B8E;
	s24 =	sld [smem:$0x3FFE];
	[sflag:s4] =	ssyncadd.remote.s32 @!p0 $0x1  }
0xb4: {  	s26 =	simm.s32 $execute0_lowered;
	[smem:$0x3FD2] =	sst s25  }
0xb5: {  	s5 =	sshll.u32 s26, $0x1;
	_ =	strace $0x80000049;
	[dreg:$0x1] =	wrdreg $0xFFFFFFFF  }
0xb6: {  	s28 =	simm.s32 $_size_execute0_lowered;
	s3 =	sadd.s32 s3, s5;
	[dreg:$0x0] =	wrdreg $0x0  }
0xb7: {  	s5 =	sshll.u32 s28, $0x1;
	[dreg:$0x2] =	wrdreg s3  }
0xb8: {  	[dreg:$0x3] =	wrdreg s5  }
0xb9: {  	[dreg:$0x4] =	wrdreg $0xC0  }
0xba: {  	_ =	task [dreg:s22], $0x5FFFF  }
0xbb: {  	[dreg:$0x1] =	wrdreg $0xFFFFFFFF  }
0xbc: {  	[dreg:$0x0] =	wrdreg $0x60  }
0xbd: {  	[dreg:$0x2] =	wrdreg s24  }
0xbe: {  	[dreg:$0x3] =	wrdreg $0x9  }
0xbf: {  	_ =	task.clear_ibuf [dreg:s22], $0x4FFFF;
	_ =	strace $0x90000049  }
0xc0: {  	s29 =	simm.s32 $0x9;
	_ =	strace $0x8000004B  }
0xc1: {  	_ =	swait.ge [sflag:s29], $0x1  }
0xc2: {  	[sflag:s29] =	ssyncadd.s32 $0xFFFFFFFF  }
0xc3: {  	_ =	strace $0x9000004B  }
0xc4: {  	_ =	sfence  }
0xc5: {  	s30 =	sld [smem:$0x0];
	_ =	sdelay $0x2  }
0xc6: {  	s31 =	sshll.u32 s1, $0xD;
	s1 =	sshrl.u32 s1, $0x2  }
0xc7: {  	s4 =	sand.u32 $0x4000, s31;
	s1 =	sadd.s32 s1, s30  }
0xc8: {  	s0 =	sor.u32 s4, s0;
	s1 =	sshll.u32 s1, $0x11  }
0xc9: {  	s0 =	sor.u32 s1, s0  }
0xca: {  	s0 =	sadd.s32 $0x8F2B, s0  }
0xcb: {  	[sflag:s0] =	ssyncadd.remote.s32 $0x1  }
0xcc: {  	_ =	sfence.sel $0xFFFF  }
0xcd: {  	[dreg:$0x0] =	wrdreg $0xFFFFFFFF;
	(pc) =	sbr.abs _section_cstart, $3  }
0xce: {  	[dreg:$0x1] =	wrdreg $0xFFFFFFFF  }
0xcf: {  	_ =	task.clear_ibuf [dreg:s22], $0x2FFFF;
	_ =	strace $0x9FFFFFFF  }
0xd0: {  	(tm) =	ssettm $0x7FFFFFFF  }
0xd1: {  	_ =	shalt  }
tec
execute0_lowered:
.L_overlay_start_1:
0x0: {  	(tag) =	ssettag $0x1  }
0x1: {  	v0 =	vimm.s32 $0xB80;
	vm0 =	vcmask $0x300  }
0x2: {  	vm14 =	vcmask $0x704;
	v0 =	vsel vm0, $0x0, v0  }
0x3: {  	vm15 =	vcmask $0xB08;
	v0 =	vsel vm14, $0x80, v0  }
0x4: {  	vm4 =	vcmask $0xF0C;
	v0 =	vsel vm15, $0x100, v0  }
0x5: {  	vm5 =	vcmask $0x1310;
	v0 =	vsel vm4, $0x180, v0  }
0x6: {  	vm6 =	vcmask $0x1714;
	v0 =	vsel vm5, $0x200, v0  }
0x7: {  	vm7 =	vcmask $0x1B18;
	v0 =	vsel vm6, $0x280, v0  }
0x8: {  	s1 =	srdreg.scid;
	vm8 =	vcmask $0x1F1C;
	v0 =	vsel vm7, $0x300, v0  }
0x9: {  	s4 =	rddreg [dreg:$0x0];
	s0 =	stileid.u32;
	vm9 =	vcmask $0x2320;
	s2 =	simm.s32 $0x0;
	v0 =	vsel vm8, $0x380, v0  }
0xa: {  	vm10 =	vcmask $0x2724;
	s8 =	simm.s32 $0x4000;
	s9 =	simm.s32 $0x5000;
	s10 =	simm.s32 $0x1;
	v0 =	vsel vm9, $0x800, v0  }
0xb: {  	vm11 =	vcmask $0x2B28;
	s11 =	simm.s32 $0x2;
	s12 =	simm.s32 $0x0;
	s5 =	sand.u32 $0x1, s1;
	v0 =	vsel vm10, $0x880, v0  }
0xc: {  	vm12 =	vcmask $0x2F2C;
	s1 =	rddreg [dreg:$0x1];
	s3 =	sshll.u32 s0, $0x9;
	s6 =	sshll.u32 s5, $0x8;
	v1 =	vsel vm11, $0x900, v0  }
0xd: {  	vm13 =	vcmask $0x3330;
	v4 =	vimm.s32 $0x1;
	[smem:$0x7FF] =	sst s2;
	s5 =	ssub.s32 $0x2, s5;
	s3 =	sor.u32 s6, s3;
	v2 =	vsel vm12, $0x980, v1  }
0xe: {  	_ =	strace $0x8000004A;
	vm14 =	vcmask $0x3734;
	s7 =	sshrl.u32 s5, $0x1;
	vm15 =	vcmask $0x3B38;
	s6 =	sshll.u32 s3, $0x3;
	v3 =	vsel vm13, $0xA00, v2  }
0xf: {  	s7 =	ssub.s32 s5, s7;
	s6 =	sadd.s32 s6, s4;
	s4 =	sadd.s32 $0x61A00, s4;
	v0 =	vimm.s32 $0x0;
	v1 =	vlaneseq.u32;
	v5 =	vsel vm14, $0xA80, v3  }
0x10: {  	s5 =	sadd.s32 $0x51A00, s6;
	s6 =	smax.u32 s7, $0x1;
	s7 =	simm.s32 $0x3;
	v2 =	vmul.u32 $0x40, v1;
	v3 =	vand.u32 $0x7, v1;
	v5 =	vsel vm15, $0xB00, v5  }
.LBB2_1:
0x11: {  	[tilespmem:s2], [sflag:$0x3] =	stream.linear.gather [hbm4b:s5+s2], $0x4000, $0x38;
	[tilespmem:$0x6000] =	vst v63  }
0x12: {  	_ =	swait.ge [sflag:s7], $0x4000  }
0x13: {  	[sflag:s7] =	ssyncset.done $0x0  }
0x14: {  	s13 =	simm.s32 $0x0;
	[sflag:s7] =	ssyncadd.s32 $0xFFFFC000  }
.LBB2_2:
0x15: {  	p0 =	seq.s32 s13, $0x0  }
0x16: {  	s14 =	simm.s32 @!p0 $0x1  }
0x17: {  	_ =	swait.ge @!p0 [sflag:s14], $0x1000  }
0x18: {  	[sflag:s14] =	ssyncset.done @!p0 $0x0  }
0x19: {  	s15 =	simm.s32 $0x4040;
	[sflag:s14] =	ssyncadd.s32 @!p0 $0xFFFFF000  }
0x1a: {  	[tilespmem:s15+$0xFFFFFFC0] =	vst v0  }
0x1b: {  	[tilespmem:s15+$0x30] =	vst v0  }
0x1c: {  	[tilespmem:s15+$0x20] =	vst v0  }
0x1d: {  	[tilespmem:s15+$0x10] =	vst v0  }
0x1e: {  	[tilespmem:s15+$0x0] =	vst v0  }
0x1f: {  	[tilespmem:s15+$0xFFFFFFF0] =	vst v0  }
0x20: {  	s14 =	simm.s32 $0x0;
	[tilespmem:s15+$0xFFFFFFE0] =	vst v0  }
.LBB2_3:
0x21: {  	s14 =	sadd.s32 $0x80, s14;
	[tilespmem:s15+$0xFFFFFFD0] =	vst v0;
	s15 =	sadd.s32 $0x80, s15  }
0x22: {  	[tilespmem:s15+$0xFFFFFFC0] =	vst v0;
	p0 =	slt.u32 s14, $0xF80  }
0x23: {  	[tilespmem:s15+$0x30] =	vst v0  }
.Ltmp0:
0x24: {  	[tilespmem:s15+$0x20] =	vst v0;
	(pc) =	sbr.rel @p0 .LBB2_3-.Ltmp0, $4  }
0x25: {  	[tilespmem:s15+$0x10] =	vst v0  }
0x26: {  	[tilespmem:s15+$0x0] =	vst v0  }
0x27: {  	[tilespmem:s15+$0xFFFFFFF0] =	vst v0  }
0x28: {  	[tilespmem:s15+$0xFFFFFFE0] =	vst v0  }
0x29: {  	s14 =	sshll.u32 s13, $0x5  }
0x2a: {  	s16 =	simm.s32 $0x4;
	v6 =	vmov s14  }
0x2b: {  	s25 =	simm.s32 $0x7;
	v7 =	vadd.s32 s16, v1;
	v6 =	vshll.u32 v6, $0x6  }
0x2c: {  	s17 =	simm.s32 $0x5;
	v8 =	vadd.s32 s25, v1;
	v7 =	vand.u32 $0x3F, v7;
	v6 =	vor.u32 v2, v6  }
0x2d: {  	s26 =	simm.s32 $0x2;
	v9 =	vadd.s32 s17, v1;
	v8 =	vand.u32 $0x3F, v8;
	v7 =	vor.u32 v6, v7  }
0x2e: {  	v10 =	vadd.s32 s26, v1;
	v9 =	vand.u32 $0x3F, v9;
	v8 =	vor.u32 v6, v8  }
0x2f: {  	v10 =	vand.u32 $0x3F, v10;
	v9 =	vor.u32 v6, v9  }
0x30: {  	v10 =	vor.u32 v6, v10  }
0x31: {  	[tilespmem:s15+$0xFFFFFFD0] =	vst v0  }
0x32: {  	v12 =	vld.idx.msk [tilespmem:v7+s2+$0x0], $0xffff  }
0x33: {  	s28 =	simm.s32 $0x1;
	s29 =	simm.s32 $0x0;
	s30 =	simm.s32 $0x3;
	v8 =	vld.idx.msk [tilespmem:v8+s2+$0x0], $0xffff  }
0x34: {  	v11 =	vadd.s32 s28, v1;
	v13 =	vadd.s32 s29, v1;
	v14 =	vadd.s32 s30, v1;
	v15 =	vld.idx.msk [tilespmem:v9+s2+$0x0], $0xffff  }
0x35: {  	s31 =	simm.s32 $0x6;
	v13 =	vand.u32 $0x38, v13;
	v7 =	vand.u32 $0x3F, v11;
	v9 =	vand.u32 $0x3F, v14;
	v17 =	vld.idx.msk [tilespmem:v10+s2+$0x0], $0xffff  }
0x36: {  	v14 =	vadd.s32 s31, v1;
	v11 =	vor.u32 v6, v7;
	v7 =	vor.u32 v3, v6  }
0x37: {  	v16 =	vor.u32 v6, v9;
	v9 =	vand.u32 $0x3F, v14;
	v13 =	vor.u32 v13, v7  }
0x38: {  	v14 =	vor.u32 v6, v9  }
0x39: {  	v10 =	vshrl.u32 v12, $0x4;
	v18 =	vshll.u32 v12, $0x1;
	v20 =	vshll.u32 v8, $0x1  }
0x3a: {  	v22 =	vshrl.u32 v8, $0x4;
	v21 =	vand.u32 $0x7F, v17;
	v9 =	vand.u32 $0x18, v10  }
0x3b: {  	v10 =	vand.u32 $0x7F, v12;
	v19 =	vld.idx.msk [tilespmem:v11+s2+$0x0], $0xffff;
	v12 =	vand.u32 $0x7F, v8;
	v8 =	vshll.u32 v15, $0x1  }
0x3c: {  	v11 =	vshrl.u32 v15, $0x4;
	v23 =	vshll.u32 v4, v9;
	v9 =	vld.idx.msk [tilespmem:v13+s2+$0x0], $0xffff;
	v13 =	vand.u32 $0x7F, v15  }
0x3d: {  	v15 =	vand.u32 $0xFFFFFC00, v18;
	v24 =	vand.u32 $0xFFFFFC00, v8;
	v11 =	vand.u32 $0x18, v11  }
0x3e: {  	v18 =	vshll.u32 v17, $0x1;
	v8 =	vld.idx.msk [tilespmem:v16+s2+$0x0], $0xffff;
	v10 =	vor.u32 v10, v15;
	v11 =	vshll.u32 v4, v11  }
0x3f: {  	v14 =	vld.idx.msk [tilespmem:v14+s2+$0x0], $0xffff;
	v18 =	vand.u32 $0xFFFFFC00, v18;
	v15 =	vshrl.u32 v17, $0x4;
	v13 =	vor.u32 v13, v24  }
0x40: {  	v25 =	vadd.s32 v5, v10;
	v10 =	vand.u32 $0x18, v15;
	v16 =	vshll.u32 v19, $0x1  }
0x41: {  	v26 =	vand.u32 $0x7F, v19;
	v27 =	vshrl.u32 v19, $0x4;
	v19 =	vand.u32 $0x18, v22  }
0x42: {  	v22 =	vand.u32 $0xFFFFFC00, v20;
	v15 =	vand.u32 $0xFFFFFC00, v16;
	v16 =	vshll.u32 v9, $0x1  }
0x43: {  	v28 =	vand.u32 $0x7F, v9;
	v63 =	vshll.u32 v8, $0x1;
	v17 =	vand.u32 $0xFFFFFC00, v16  }
0x44: {  	v16 =	vadd.s32 v5, v13;
	v13 =	vor.u32 v26, v15;
	v15 =	vshll.u32 v14, $0x1  }
0x45: {  	v17 =	vor.u32 v28, v17;
	v20 =	vadd.s32 v5, v13;
	v15 =	vand.u32 $0xFFFFFC00, v15  }
0x46: {  	s15 =	simm.s32 $0x8;
	[tilespmem:v25+s8+$0x0] =	vst.idx.add.s32.msk $0xffff, v23;
	v23 =	vand.u32 $0x18, v27;
	v13 =	vadd.s32 v5, v17;
	v17 =	vand.u32 $0xFFFFFC00, v63  }
.LBB2_5:
0x47: {  	s16 =	sadd.s32 $0x1, s15  }
0x48: {  	s17 =	sadd.s32 $0x2, s15;
	s18 =	sadd.s32 $0x3, s15;
	v18 =	vor.u32 v21, v18;
	v21 =	vand.u32 $0x7F, v14;
	v12 =	vor.u32 v12, v22;
	s19 =	smov.u32 s15  }
0x49: {  	s20 =	sadd.s32 $0x6, s15;
	v23 =	vshll.u32 v4, v23;
	v22 =	vadd.s32 s16, v1;
	v24 =	vadd.s32 s17, v1;
	s16 =	sadd.s32 $0x4, s15;
	s17 =	sadd.s32 $0x5, s15  }
0x4a: {  	p0 =	slt.u32 s15, $0x38;
	v19 =	vshll.u32 v4, v19;
	s15 =	sadd.s32 $0x8, s15;
	v25 =	vadd.s32 s16, v1;
	v26 =	vadd.s32 s17, v1;
	s16 =	sadd.s32 $0x7, s19  }
0x4b: {  	v25 =	vand.u32 $0x3F, v25;
	v27 =	vadd.s32 s16, v1;
	[tilespmem:v20+s8+$0x0] =	vst.idx.add.s32.msk $0xffff, v23;
	v20 =	vadd.s32 v5, v12  }
0x4c: {  	v12 =	vadd.s32 s18, v1;
	v23 =	vor.u32 v6, v25;
	v25 =	vand.u32 $0x3F, v27  }
0x4d: {  	v14 =	vshrl.u32 v14, $0x4;
	v26 =	vand.u32 $0x3F, v26;
	v25 =	vor.u32 v6, v25  }
0x4e: {  	v24 =	vand.u32 $0x3F, v24;
	v12 =	vand.u32 $0x3F, v12;
	v26 =	vor.u32 v6, v26  }
0x4f: {  	v22 =	vand.u32 $0x3F, v22;
	v24 =	vor.u32 v6, v24;
	v12 =	vor.u32 v6, v12  }
0x50: {  	v18 =	vadd.s32 v5, v18;
	v22 =	vor.u32 v6, v22;
	v27 =	vadd.s32 s20, v1;
	[tilespmem:v16+s8+$0x0] =	vst.idx.add.s32.msk $0xffff, v11  }
0x51: {  	v11 =	vadd.s32 s19, v1;
	v16 =	vld.idx.msk [tilespmem:v23+s2+$0x0], $0xffff;
	v23 =	vand.u32 $0x3F, v27;
	v27 =	vand.u32 $0x7F, v8  }
0x52: {  	v14 =	vand.u32 $0x18, v14;
	v11 =	vand.u32 $0x38, v11;
	v23 =	vor.u32 v6, v23;
	v25 =	vld.idx.msk [tilespmem:v25+s2+$0x0], $0xffff  }
0x53: {  	v14 =	vshll.u32 v4, v14;
	v11 =	vor.u32 v11, v7;
	v17 =	vor.u32 v27, v17;
	v26 =	vld.idx.msk [tilespmem:v26+s2+$0x0], $0xffff  }
0x54: {  	v9 =	vshrl.u32 v9, $0x4;
	v10 =	vshll.u32 v4, v10;
	v17 =	vadd.s32 v5, v17;
	v27 =	vld.idx.msk [tilespmem:v12+s2+$0x0], $0xffff  }
0x55: {  	v9 =	vand.u32 $0x18, v9;
	v8 =	vshrl.u32 v8, $0x4;
	[tilespmem:v18+s8+$0x0] =	vst.idx.add.s32.msk $0xffff, v10;
	v10 =	vor.u32 v21, v15  }
0x56: {  	v9 =	vshll.u32 v4, v9;
	v8 =	vand.u32 $0x18, v8;
	v15 =	vld.idx.msk [tilespmem:v24+s2+$0x0], $0xffff;
	v10 =	vadd.s32 v5, v10  }
0x57: {  	v18 =	vshll.u32 v16, $0x1;
	v21 =	vand.u32 $0x7F, v16;
	v12 =	vshrl.u32 v16, $0x4;
	[tilespmem:v13+s8+$0x0] =	vst.idx.add.s32.msk $0xffff, v9  }
0x58: {  	v16 =	vand.u32 $0x18, v12;
	v12 =	vand.u32 $0x7F, v25;
	v13 =	vld.idx.msk [tilespmem:v22+s2+$0x0], $0xffff;
	v22 =	vshll.u32 v4, v8  }
0x59: {  	v24 =	vshll.u32 v25, $0x1;
	v25 =	vshrl.u32 v25, $0x4;
	v16 =	vshll.u32 v4, v16;
	v9 =	vld.idx.msk [tilespmem:v11+s2+$0x0], $0xffff  }
0x5a: {  	v28 =	vand.u32 $0x7F, v26;
	v11 =	vshll.u32 v26, $0x1;
	v26 =	vshrl.u32 v26, $0x4;
	v8 =	vmovc v27;
	[tilespmem:v20+s8+$0x0] =	vst.idx.add.s32.msk $0xffff, v19  }
0x5b: {  	v18 =	vand.u32 $0xFFFFFC00, v18;
	v19 =	vand.u32 $0xFFFFFC00, v11;
	v11 =	vand.u32 $0x18, v26;
	[tilespmem:v10+s8+$0x0] =	vst.idx.add.s32.msk $0xffff, v14  }
0x5c: {  	v10 =	vshll.u32 v15, $0x1;
	v14 =	vor.u32 v21, v18;
	v11 =	vshll.u32 v4, v11;
	[tilespmem:v17+s8+$0x0] =	vst.idx.add.s32.msk $0xffff, v22  }
0x5d: {  	v18 =	vand.u32 $0xFFFFFC00, v10;
	v10 =	vshrl.u32 v15, $0x4;
	v17 =	vadd.s32 v5, v14;
	v14 =	vld.idx.msk [tilespmem:v23+s2+$0x0], $0xffff  }
0x5e: {  	v20 =	vshll.u32 v13, $0x1;
	v22 =	vand.u32 $0x7F, v13;
	v10 =	vand.u32 $0x18, v10  }
0x5f: {  	v23 =	vshrl.u32 v13, $0x4;
	v20 =	vand.u32 $0xFFFFFC00, v20  }
0x60: {  	v21 =	vand.u32 $0x7F, v15;
	v13 =	vshll.u32 v9, $0x1;
	v26 =	vand.u32 $0x7F, v9  }
.Ltmp1:
0x61: {  	v15 =	vor.u32 v28, v19;
	v13 =	vand.u32 $0xFFFFFC00, v13;
	(pc) =	sbr.rel @p0 .LBB2_5-.Ltmp1, $4  }
0x62: {  	v27 =	vshll.u32 v8, $0x1;
	v19 =	vand.u32 $0x18, v25;
	[tilespmem:v17+s8+$0x0] =	vst.idx.add.s32.msk $0xffff, v16;
	v16 =	vadd.s32 v5, v15  }
0x63: {  	v15 =	vor.u32 v22, v20;
	v17 =	vshll.u32 v14, $0x1;
	v22 =	vand.u32 $0xFFFFFC00, v24  }
0x64: {  	v13 =	vor.u32 v26, v13;
	v20 =	vadd.s32 v5, v15;
	v15 =	vand.u32 $0xFFFFFC00, v17  }
0x65: {  	v23 =	vand.u32 $0x18, v23;
	v13 =	vadd.s32 v5, v13;
	v17 =	vand.u32 $0xFFFFFC00, v27  }
0x66: {  	v6 =	vor.u32 v21, v18  }
0x67: {  	v12 =	vor.u32 v12, v22;
	v6 =	vadd.s32 v5, v6  }
0x68: {  	v57 =	vand.u32 $0x7F, v8;
	v12 =	vadd.s32 v5, v12  }
0x69: {  	v7 =	vand.u32 $0x7F, v14;
	v56 =	vshll.u32 v4, v23;
	v58 =	vor.u32 v57, v17  }
0x6a: {  	[tilespmem:v16+s8+$0x0] =	vst.idx.add.s32.msk $0xffff, v11;
	v7 =	vor.u32 v7, v15;
	v59 =	vadd.s32 v5, v58  }
0x6b: {  	v9 =	vshrl.u32 v9, $0x4;
	v10 =	vshll.u32 v4, v10;
	[tilespmem:v20+s8+$0x0] =	vst.idx.add.s32.msk $0xffff, v56;
	v7 =	vadd.s32 v5, v7  }
0x6c: {  	v61 =	vshll.u32 v4, v19;
	v63 =	vshrl.u32 v8, $0x4;
	v9 =	vand.u32 $0x18, v9;
	[tilespmem:v6+s8+$0x0] =	vst.idx.add.s32.msk $0xffff, v10  }
0x6d: {  	v60 =	vshrl.u32 v14, $0x4;
	v8 =	vand.u32 $0x18, v63;
	v6 =	vshll.u32 v4, v9;
	[tilespmem:v12+s8+$0x0] =	vst.idx.add.s32.msk $0xffff, v61  }
0x6e: {  	s15 =	sadd.s32 s3, s14;
	v62 =	vand.u32 $0x18, v60;
	v8 =	vshll.u32 v4, v8;
	[tilespmem:v13+s8+$0x0] =	vst.idx.add.s32.msk $0xffff, v6  }
0x6f: {  	s15 =	sshll.u32 s15, $0x5;
	v6 =	vshll.u32 v4, v62;
	[tilespmem:v59+s8+$0x0] =	vst.idx.add.s32.msk $0xffff, v8  }
0x70: {  	p0 =	sne.s32 s13, $0x0;
	s15 =	sadd.s32 s4, s15;
	[tilespmem:v7+s8+$0x0] =	vst.idx.add.s32.msk $0xffff, v6  }
0x71: {  	[hbm4b:s15+s2] =	stream.linear.scatter [tilespmem:s8], [sflag:$0x1], $0x1000, $0x38;
	[tilespmem:$0x6000] =	vst v63  }
0x72: {  	s15 =	simm.s32 @p0 $0x2  }
0x73: {  	_ =	swait.ge @p0 [sflag:s15], $0x1000  }
0x74: {  	[sflag:s15] =	ssyncset.done @p0 $0x0  }
0x75: {  	[sflag:s15] =	ssyncadd.s32 @p0 $0xFFFFF000;
	s15 =	simm.s32 $0x5040  }
0x76: {  	[tilespmem:s15+$0xFFFFFFC0] =	vst v0  }
0x77: {  	[tilespmem:s15+$0x30] =	vst v0  }
0x78: {  	[tilespmem:s15+$0x20] =	vst v0  }
0x79: {  	[tilespmem:s15+$0x10] =	vst v0  }
0x7a: {  	[tilespmem:s15+$0x0] =	vst v0  }
0x7b: {  	[tilespmem:s15+$0xFFFFFFF0] =	vst v0  }
0x7c: {  	s14 =	sor.u32 $0x10, s14;
	s16 =	simm.s32 $0x0;
	[tilespmem:s15+$0xFFFFFFE0] =	vst v0  }
.LBB2_7:
0x7d: {  	s16 =	sadd.s32 $0x80, s16;
	[tilespmem:s15+$0xFFFFFFD0] =	vst v0;
	s15 =	sadd.s32 $0x80, s15  }
0x7e: {  	[tilespmem:s15+$0xFFFFFFC0] =	vst v0;
	p0 =	slt.u32 s16, $0xF80  }
0x7f: {  	[tilespmem:s15+$0x30] =	vst v0  }
.Ltmp2:
0x80: {  	[tilespmem:s15+$0x20] =	vst v0;
	(pc) =	sbr.rel @p0 .LBB2_7-.Ltmp2, $4  }
0x81: {  	[tilespmem:s15+$0x10] =	vst v0  }
0x82: {  	[tilespmem:s15+$0x0] =	vst v0  }
0x83: {  	[tilespmem:s15+$0xFFFFFFF0] =	vst v0  }
0x84: {  	[tilespmem:s15+$0xFFFFFFE0] =	vst v0  }
0x85: {  	v6 =	vmov s14;
	s16 =	simm.s32 $0x4  }
0x86: {  	s26 =	simm.s32 $0x7;
	v6 =	vshll.u32 v6, $0x6;
	v8 =	vadd.s32 s16, v1  }
0x87: {  	s17 =	simm.s32 $0x5;
	v9 =	vadd.s32 s26, v1;
	v6 =	vor.u32 v2, v6;
	v8 =	vand.u32 $0x3F, v8  }
0x88: {  	s28 =	simm.s32 $0x2;
	v10 =	vadd.s32 s17, v1;
	v9 =	vand.u32 $0x3F, v9;
	v8 =	vor.u32 v6, v8  }
0x89: {  	s29 =	simm.s32 $0x1;
	v11 =	vadd.s32 s28, v1;
	v10 =	vand.u32 $0x3F, v10;
	v9 =	vor.u32 v6, v9  }
0x8a: {  	v12 =	vadd.s32 s29, v1;
	v11 =	vand.u32 $0x3F, v11;
	v10 =	vor.u32 v6, v10  }
0x8b: {  	v12 =	vand.u32 $0x3F, v12;
	v11 =	vor.u32 v6, v11  }
0x8c: {  	[tilespmem:s15+$0xFFFFFFD0] =	vst v0;
	v12 =	vor.u32 v6, v12  }
0x8d: {  	s25 =	simm.s32 $0x0;
	v8 =	vld.idx.msk [tilespmem:v8+s2+$0x0], $0xffff  }
0x8e: {  	v13 =	vadd.s32 s25, v1;
	v9 =	vld.idx.msk [tilespmem:v9+s2+$0x0], $0xffff  }
0x8f: {  	s30 =	simm.s32 $0x3;
	s31 =	simm.s32 $0x6;
	v13 =	vand.u32 $0x38, v13;
	v7 =	vor.u32 v3, v6;
	v10 =	vld.idx.msk [tilespmem:v10+s2+$0x0], $0xffff  }
0x90: {  	v14 =	vadd.s32 s30, v1;
	v15 =	vadd.s32 s31, v1;
	v13 =	vor.u32 v13, v7;
	v16 =	vld.idx.msk [tilespmem:v11+s2+$0x0], $0xffff  }
0x91: {  	v14 =	vand.u32 $0x3F, v14;
	v15 =	vand.u32 $0x3F, v15;
	v19 =	vld.idx.msk [tilespmem:v12+s2+$0x0], $0xffff  }
0x92: {  	v14 =	vor.u32 v6, v14;
	v15 =	vor.u32 v6, v15  }
0x93: {  	v11 =	vshrl.u32 v8, $0x4;
	v17 =	vshll.u32 v8, $0x1;
	v18 =	vand.u32 $0x7F, v8  }
0x94: {  	v12 =	vand.u32 $0x7F, v9;
	v20 =	vshll.u32 v9, $0x1;
	v22 =	vshrl.u32 v9, $0x4  }
0x95: {  	v8 =	vshll.u32 v10, $0x1;
	v9 =	vld.idx.msk [tilespmem:v13+s2+$0x0], $0xffff;
	v13 =	vand.u32 $0x7F, v10;
	v10 =	vshrl.u32 v10, $0x4  }
0x96: {  	v21 =	vshll.u32 v16, $0x1;
	v25 =	vand.u32 $0x7F, v19;
	v11 =	vand.u32 $0x18, v11  }
0x97: {  	v26 =	vshrl.u32 v19, $0x4;
	v23 =	vshll.u32 v4, v11;
	v11 =	vand.u32 $0xFFFFFC00, v17  }
0x98: {  	v10 =	vand.u32 $0x18, v10;
	v17 =	vand.u32 $0xFFFFFC00, v8;
	v8 =	vld.idx.msk [tilespmem:v14+s2+$0x0], $0xffff;
	v14 =	vor.u32 v18, v11  }
0x99: {  	v11 =	vshll.u32 v4, v10;
	v18 =	vand.u32 $0xFFFFFC00, v21;
	v10 =	vshrl.u32 v16, $0x4  }
0x9a: {  	v21 =	vand.u32 $0x7F, v16;
	v13 =	vor.u32 v13, v17;
	v24 =	vadd.s32 v5, v14;
	v14 =	vld.idx.msk [tilespmem:v15+s2+$0x0], $0xffff  }
0x9b: {  	v15 =	vshll.u32 v19, $0x1;
	v10 =	vand.u32 $0x18, v10;
	v16 =	vadd.s32 v5, v13  }
0x9c: {  	v15 =	vand.u32 $0xFFFFFC00, v15;
	v19 =	vshll.u32 v9, $0x1;
	v27 =	vand.u32 $0x7F, v9  }
0x9d: {  	v28 =	vand.u32 $0xFFFFFC00, v19;
	v19 =	vand.u32 $0x18, v22;
	v13 =	vor.u32 v25, v15  }
0x9e: {  	v22 =	vand.u32 $0xFFFFFC00, v20;
	v17 =	vshll.u32 v8, $0x1;
	v63 =	vor.u32 v27, v28  }
0x9f: {  	v20 =	vadd.s32 v5, v13;
	v13 =	vadd.s32 v5, v63;
	v15 =	vshll.u32 v14, $0x1  }
0xa0: {  	s15 =	simm.s32 $0x8;
	v17 =	vand.u32 $0xFFFFFC00, v17;
	[tilespmem:v24+s9+$0x0] =	vst.idx.add.s32.msk $0xffff, v23;
	v23 =	vand.u32 $0x18, v26;
	v15 =	vand.u32 $0xFFFFFC00, v15  }
.LBB2_9:
0xa1: {  	s16 =	sadd.s32 $0x1, s15  }
0xa2: {  	s17 =	sadd.s32 $0x2, s15;
	s18 =	sadd.s32 $0x3, s15;
	v18 =	vor.u32 v21, v18;
	v21 =	vand.u32 $0x7F, v14;
	v12 =	vor.u32 v12, v22;
	s19 =	smov.u32 s15  }
0xa3: {  	s20 =	sadd.s32 $0x6, s15;
	v23 =	vshll.u32 v4, v23;
	v22 =	vadd.s32 s16, v1;
	v24 =	vadd.s32 s17, v1;
	s16 =	sadd.s32 $0x4, s15;
	s17 =	sadd.s32 $0x5, s15  }
0xa4: {  	p0 =	slt.u32 s15, $0x38;
	v19 =	vshll.u32 v4, v19;
	s15 =	sadd.s32 $0x8, s15;
	v25 =	vadd.s32 s16, v1;
	v26 =	vadd.s32 s17, v1;
	s16 =	sadd.s32 $0x7, s19  }
0xa5: {  	v25 =	vand.u32 $0x3F, v25;
	v27 =	vadd.s32 s16, v1;
	[tilespmem:v20+s9+$0x0] =	vst.idx.add.s32.msk $0xffff, v23;
	v20 =	vadd.s32 v5, v12  }
0xa6: {  	v12 =	vadd.s32 s18, v1;
	v23 =	vor.u32 v6, v25;
	v25 =	vand.u32 $0x3F, v27  }
0xa7: {  	v14 =	vshrl.u32 v14, $0x4;
	v26 =	vand.u32 $0x3F, v26;
	v25 =	vor.u32 v6, v25  }
0xa8: {  	v24 =	vand.u32 $0x3F, v24;
	v12 =	vand.u32 $0x3F, v12;
	v26 =	vor.u32 v6, v26  }
0xa9: {  	v22 =	vand.u32 $0x3F, v22;
	v24 =	vor.u32 v6, v24;
	v12 =	vor.u32 v6, v12  }
0xaa: {  	v18 =	vadd.s32 v5, v18;
	v22 =	vor.u32 v6, v22;
	v27 =	vadd.s32 s20, v1;
	[tilespmem:v16+s9+$0x0] =	vst.idx.add.s32.msk $0xffff, v11  }
0xab: {  	v11 =	vadd.s32 s19, v1;
	v16 =	vld.idx.msk [tilespmem:v23+s2+$0x0], $0xffff;
	v23 =	vand.u32 $0x3F, v27;
	v27 =	vand.u32 $0x7F, v8  }
0xac: {  	v14 =	vand.u32 $0x18, v14;
	v11 =	vand.u32 $0x38, v11;
	v23 =	vor.u32 v6, v23;
	v25 =	vld.idx.msk [tilespmem:v25+s2+$0x0], $0xffff  }
0xad: {  	v14 =	vshll.u32 v4, v14;
	v11 =	vor.u32 v11, v7;
	v17 =	vor.u32 v27, v17;
	v26 =	vld.idx.msk [tilespmem:v26+s2+$0x0], $0xffff  }
0xae: {  	v9 =	vshrl.u32 v9, $0x4;
	v10 =	vshll.u32 v4, v10;
	v17 =	vadd.s32 v5, v17;
	v27 =	vld.idx.msk [tilespmem:v12+s2+$0x0], $0xffff  }
0xaf: {  	v9 =	vand.u32 $0x18, v9;
	v8 =	vshrl.u32 v8, $0x4;
	[tilespmem:v18+s9+$0x0] =	vst.idx.add.s32.msk $0xffff, v10;
	v10 =	vor.u32 v21, v15  }
0xb0: {  	v9 =	vshll.u32 v4, v9;
	v8 =	vand.u32 $0x18, v8;
	v15 =	vld.idx.msk [tilespmem:v24+s2+$0x0], $0xffff;
	v10 =	vadd.s32 v5, v10  }
0xb1: {  	v18 =	vshll.u32 v16, $0x1;
	v21 =	vand.u32 $0x7F, v16;
	v12 =	vshrl.u32 v16, $0x4;
	[tilespmem:v13+s9+$0x0] =	vst.idx.add.s32.msk $0xffff, v9  }
0xb2: {  	v16 =	vand.u32 $0x18, v12;
	v12 =	vand.u32 $0x7F, v25;
	v13 =	vld.idx.msk [tilespmem:v22+s2+$0x0], $0xffff;
	v22 =	vshll.u32 v4, v8  }
0xb3: {  	v24 =	vshll.u32 v25, $0x1;
	v25 =	vshrl.u32 v25, $0x4;
	v16 =	vshll.u32 v4, v16;
	v9 =	vld.idx.msk [tilespmem:v11+s2+$0x0], $0xffff  }
0xb4: {  	v28 =	vand.u32 $0x7F, v26;
	v11 =	vshll.u32 v26, $0x1;
	v26 =	vshrl.u32 v26, $0x4;
	v8 =	vmovc v27;
	[tilespmem:v20+s9+$0x0] =	vst.idx.add.s32.msk $0xffff, v19  }
0xb5: {  	v18 =	vand.u32 $0xFFFFFC00, v18;
	v19 =	vand.u32 $0xFFFFFC00, v11;
	v11 =	vand.u32 $0x18, v26;
	[tilespmem:v10+s9+$0x0] =	vst.idx.add.s32.msk $0xffff, v14  }
0xb6: {  	v10 =	vshll.u32 v15, $0x1;
	v14 =	vor.u32 v21, v18;
	v11 =	vshll.u32 v4, v11;
	[tilespmem:v17+s9+$0x0] =	vst.idx.add.s32.msk $0xffff, v22  }
0xb7: {  	v18 =	vand.u32 $0xFFFFFC00, v10;
	v10 =	vshrl.u32 v15, $0x4;
	v17 =	vadd.s32 v5, v14;
	v14 =	vld.idx.msk [tilespmem:v23+s2+$0x0], $0xffff  }
0xb8: {  	v20 =	vshll.u32 v13, $0x1;
	v22 =	vand.u32 $0x7F, v13;
	v10 =	vand.u32 $0x18, v10  }
0xb9: {  	v23 =	vshrl.u32 v13, $0x4;
	v20 =	vand.u32 $0xFFFFFC00, v20  }
0xba: {  	v21 =	vand.u32 $0x7F, v15;
	v13 =	vshll.u32 v9, $0x1;
	v26 =	vand.u32 $0x7F, v9  }
.Ltmp3:
0xbb: {  	v15 =	vor.u32 v28, v19;
	v13 =	vand.u32 $0xFFFFFC00, v13;
	(pc) =	sbr.rel @p0 .LBB2_9-.Ltmp3, $4  }
0xbc: {  	v27 =	vshll.u32 v8, $0x1;
	v19 =	vand.u32 $0x18, v25;
	[tilespmem:v17+s9+$0x0] =	vst.idx.add.s32.msk $0xffff, v16;
	v16 =	vadd.s32 v5, v15  }
0xbd: {  	v15 =	vor.u32 v22, v20;
	v17 =	vshll.u32 v14, $0x1;
	v22 =	vand.u32 $0xFFFFFC00, v24  }
0xbe: {  	v13 =	vor.u32 v26, v13;
	v20 =	vadd.s32 v5, v15;
	v15 =	vand.u32 $0xFFFFFC00, v17  }
0xbf: {  	v23 =	vand.u32 $0x18, v23;
	v13 =	vadd.s32 v5, v13;
	v17 =	vand.u32 $0xFFFFFC00, v27  }
0xc0: {  	v6 =	vor.u32 v21, v18  }
0xc1: {  	v12 =	vor.u32 v12, v22;
	v6 =	vadd.s32 v5, v6  }
0xc2: {  	v57 =	vand.u32 $0x7F, v8;
	v12 =	vadd.s32 v5, v12  }
0xc3: {  	v7 =	vand.u32 $0x7F, v14;
	v56 =	vshll.u32 v4, v23;
	v58 =	vor.u32 v57, v17  }
0xc4: {  	[tilespmem:v16+s9+$0x0] =	vst.idx.add.s32.msk $0xffff, v11;
	v7 =	vor.u32 v7, v15;
	v59 =	vadd.s32 v5, v58  }
0xc5: {  	v9 =	vshrl.u32 v9, $0x4;
	v10 =	vshll.u32 v4, v10;
	s13 =	sadd.s32 $0x1, s13;
	[tilespmem:v20+s9+$0x0] =	vst.idx.add.s32.msk $0xffff, v56;
	v7 =	vadd.s32 v5, v7  }
0xc6: {  	v61 =	vshll.u32 v4, v19;
	v63 =	vshrl.u32 v8, $0x4;
	v9 =	vand.u32 $0x18, v9;
	p0 =	sne.s32 s13, $0x8;
	[tilespmem:v6+s9+$0x0] =	vst.idx.add.s32.msk $0xffff, v10  }
.Ltmp4:
0xc7: {  	v60 =	vshrl.u32 v14, $0x4;
	v8 =	vand.u32 $0x18, v63;
	v6 =	vshll.u32 v4, v9;
	[tilespmem:v12+s9+$0x0] =	vst.idx.add.s32.msk $0xffff, v61;
	(pc) =	sbr.rel @p0 .LBB2_2-.Ltmp4, $4  }
0xc8: {  	s14 =	sadd.s32 s3, s14;
	v62 =	vand.u32 $0x18, v60;
	v8 =	vshll.u32 v4, v8;
	[tilespmem:v13+s9+$0x0] =	vst.idx.add.s32.msk $0xffff, v6  }
0xc9: {  	s14 =	sshll.u32 s14, $0x5;
	v6 =	vshll.u32 v4, v62;
	[tilespmem:v59+s9+$0x0] =	vst.idx.add.s32.msk $0xffff, v8  }
0xca: {  	s14 =	sadd.s32 s4, s14;
	[tilespmem:v7+s9+$0x0] =	vst.idx.add.s32.msk $0xffff, v6  }
0xcb: {  	[hbm4b:s14+s2] =	stream.linear.scatter [tilespmem:s9], [sflag:$0x2], $0x1000, $0x38;
	[tilespmem:$0x6000] =	vst v63  }
0xcc: {  	s12 =	sadd.s32 $0x1, s12  }
0xcd: {  	_ =	swait.ge [sflag:s10], $0x1000;
	p0 =	sne.s32 s12, s6  }
.Ltmp5:
0xce: {  	[sflag:s10] =	ssyncset.done $0x0;
	(pc) =	sbr.rel @p0 .LBB2_1-.Ltmp5, $4  }
0xcf: {  	[sflag:s10] =	ssyncadd.s32 $0xFFFFF000  }
0xd0: {  	_ =	swait.ge [sflag:s11], $0x1000  }
0xd1: {  	[sflag:s11] =	ssyncset.done $0x0  }
0xd2: {  	[sflag:s11] =	ssyncadd.s32 $0xFFFFF000  }
0xd3: {  	_ =	sfence.sel $0x180000  }
0xd4: {  	[bflag:$0x0] =	sbarrier.arrive $0xFFFF  }
0xd5: {  	p0 =	sne.s32 s0, $0x0;
	_ =	strace $0x9000004A  }
0xd6: {  	s0 =	sadd.s32 @!p0 $0x100000, s1;
	[bflag:$0x2] =	sbarrier.arrive $0xFFFF  }
0xd7: {  	[sflag:s0] =	ssyncadd.tile.s32 @!p0 $0x1;
	_ =	shalt  }
.Lfunc_end2:
_tile_overlayer_lowered:
.L_overlay_start_2:
0xd8: {  	(tag) =	ssettag $0x2  }
0xd9: {  	s0 =	rddreg [dreg:$0x0];
	s2 =	stileid.u32  }
0xda: {  	s1 =	rddreg [dreg:$0x1];
	p0 =	sne.s32 s2, $0x0  }
0xdb: {  	s3 =	rddreg [dreg:$0x2];
	[bflag:$0x3] =	sbarrier.arrive $0xFFFF;
	s2 =	simm.s32 @!p0 $0x1C03  }
0xdc: {  	[timem:s3], [sflag:s2] =	dma.local @!p0 [hbm:s0], s1  }
0xdd: {  	s0 =	simm.s32 @!p0 $0x3  }
0xde: {  	_ =	swait.ge @!p0 [sflag:s0], s1  }
0xdf: {  	s1 =	ssub.s32 @!p0 $0x0, s1;
	[sflag:s0] =	ssyncset.done @!p0 $0x0  }
0xe0: {  	[sflag:s0] =	ssyncadd.s32 @!p0 s1  }
0xe1: {  	[bflag:$0x3] =	sbarrier.arrive $0xFFFF  }
0xe2: {  	_ =	shalt  }

</sc_bundles>
